<compile_context>
chip_gen: v7x
topology: tpu7x:2x2x1
jax: 0.10.2.dev20260603
libtpu: 0.0.44.dev20260713+nightly
codegen_flags: <defaults>
</compile_context>

<pallas_src>
import jax
import jax.numpy as jnp
from jax import lax
from jax.experimental import pallas as pl
from jax.experimental.pallas import tpu as pltpu
from jax.experimental.pallas import tpu_sc as plsc

SEQ = 200
BATCH = 4096
EMB = 64
VOCAB = 1000000
NC = 2
NS = 16
NW = NC * NS

K = 128
NCHUNK = SEQ
NBUF = 4
LOOKAHEAD = 2


def _gather_body(x_hbm, tpad_hbm, out_hbm, idx_v, bufs, gsem, osem):
    wid = lax.axis_index("s") * NC + lax.axis_index("c")
    b0 = wid * K
    pltpu.sync_copy(x_hbm.at[:, pl.ds(b0, K)], idx_v)

    def start_gather(j, b):
        pltpu.async_copy(tpad_hbm.at[idx_v.at[j]], bufs.at[b], gsem.at[b])

    def wait_gather(j, b):
        pltpu.make_async_copy(tpad_hbm.at[idx_v.at[j]], bufs.at[b],
                              gsem.at[b]).wait()

    def start_write(j, b):
        pltpu.async_copy(bufs.at[b], out_hbm.at[pl.ds(j * BATCH + b0, K)],
                         osem.at[b])

    def wait_write(j, b):
        pltpu.make_async_copy(bufs.at[b], out_hbm.at[pl.ds(j * BATCH + b0, K)],
                              osem.at[b]).wait()

    for b in range(LOOKAHEAD):
        start_gather(b, b)

    def outer(g, _):
        for bi in range(NBUF):
            j = g * NBUF + bi
            bn = (bi + LOOKAHEAD) % NBUF
            jp = j + LOOKAHEAD - NBUF

            @pl.when(jp >= 0)
            def _():
                wait_write(jp, bn)

            @pl.when(j + LOOKAHEAD < NCHUNK)
            def _():
                start_gather(j + LOOKAHEAD, bn)

            wait_gather(j, bi)
            start_write(j, bi)
        return 0

    lax.fori_loop(0, NCHUNK // NBUF, outer, 0)

    for t in range(LOOKAHEAD):
        j = NCHUNK - LOOKAHEAD + t
        wait_write(j, j % NBUF)


_SC_MESH = dict(core_axis_name="c", subcore_axis_name="s")
_SC_PARAMS = dict(use_tc_tiling_on_sc=True, needs_layout_passes=False)


@jax.jit
def kernel(x, table):
    x32 = x.astype(jnp.int32)
    tpad = jnp.pad(table, ((0, 0), (0, 128 - EMB)))
    out = pl.kernel(
        _gather_body,
        out_type=jax.ShapeDtypeStruct((SEQ * BATCH, 128), jnp.float32),
        mesh=plsc.VectorSubcoreMesh(**_SC_MESH),
        scratch_types=[
            pltpu.VMEM((NCHUNK, K), jnp.int32),
            pltpu.VMEM((NBUF, K, 128), jnp.float32),
            pltpu.SemaphoreType.DMA((NBUF,)),
            pltpu.SemaphoreType.DMA((NBUF,)),
        ],
        compiler_params=pltpu.CompilerParams(**_SC_PARAMS),
    )(x32, tpad)
    return out[:, :EMB].reshape(SEQ, BATCH, EMB)

# --- scband reference (transcript-rebuilt; emitter-appended) ---
"""Pipeline reference for scband-encoder-48919677501836 (READ-ONLY COPY).

The authoritative reference and input builder live on the scoring server;
editing this copy changes nothing except your own understanding.
"""

import jax, jax.numpy as jnp
import numpy as np

VOCAB = 1000000
EMB = 64
SEQ = 200
BATCH = 4096

def setup_inputs(seed: int = 0) -> dict:
    key = jax.random.key(seed)
    k1, k2 = jax.random.split(key)
    # indices: [seq_len, batch], values in [0, vocab)
    x = jax.random.randint(k1, (SEQ, BATCH), 0, VOCAB)
    # embedding table initialized uniform(-0.1, 0.1) as in the torch module
    table = jax.random.uniform(k2, (VOCAB, EMB), minval=-0.1, maxval=0.1, dtype=jnp.float32)
    return {"x": x, "table": table}

def reference(x, table):
    # Eval-mode EmbedDropout with dropout=0 reduces to a plain embedding lookup.
    x_emb = jnp.take(table, x, axis=0)  # [seq_len, batch, emb]
    return x_emb

if __name__ == "__main__":
    import jax
    _d = setup_inputs()
    print(jax.jit(kernel)(*tuple(_d.values())))

</pallas_src>

<mosaic_0001>
#map = affine_map<(d0, d1) -> (0, 0)>
module attributes {stable_mosaic.version = 14 : i64} {
  func.func @_gather_body(%arg0: i32, %arg1: i32, %arg2: memref<200x4096xi32, #tpu.memory_space<hbm>>, %arg3: memref<1000000x128xf32, #tpu.memory_space<hbm>>, %arg4: memref<819200x128xf32, #tpu.memory_space<hbm>>, %arg5: memref<200x128xi32, #tpu.memory_space<vmem>>, %arg6: memref<4x128x128xf32, #tpu.memory_space<vmem>>, %arg7: memref<4x!tpu.dma_semaphore, #tpu.memory_space<semaphore_mem>>, %arg8: memref<4x!tpu.dma_semaphore, #tpu.memory_space<semaphore_mem>>) attributes {dimension_semantics = [#tpu.dimension_semantics<core_parallel>, #tpu.dimension_semantics<subcore_parallel>], iteration_bounds = array<i64: 2, 16>, scalar_prefetch = 0 : i64, scratch_operands = 4 : i64, tpu.core_type = #tpu.core_type<sc_vector_subcore>, window_params = [{transform_indices = #map}, {transform_indices = #map}, {transform_indices = #map}]} {
    %mul3A = arith.constant 2 : i32
    %mul3A_0 = arith.muli %arg1, %mul3A : i32
    %add3A = arith.addi %mul3A_0, %arg0 : i32
    %mul3A_1 = arith.constant 128 : i32
    %mul3A_2 = arith.muli %add3A, %mul3A_1 : i32
    "tpu.region"() ({
      %run_scoped3A = tpu.sem_alloc : memref<!tpu.dma_semaphore, #tpu.memory_space<semaphore_mem>>
      %dma_start3A_73 = arith.constant 0 : i32
      %dma_start3A_74 = tpu.memref_slice %arg2[%dma_start3A_73, %mul3A_2] : memref<200x4096xi32, #tpu.memory_space<hbm>> -> memref<200x128xi32, #tpu.memory_space<hbm>>
      %dma_start3A_75 = arith.constant 0 : i32
      %dma_start3A_76 = tpu.memref_slice %arg2[%dma_start3A_75, %mul3A_2] : memref<200x4096xi32, #tpu.memory_space<hbm>> -> memref<200x128xi32, #tpu.memory_space<hbm>>
      tpu.enqueue_dma source(%dma_start3A_76 : memref<200x128xi32, #tpu.memory_space<hbm>>) target(%arg5 : memref<200x128xi32, #tpu.memory_space<vmem>>) target_semaphore(%run_scoped3A : memref<!tpu.dma_semaphore, #tpu.memory_space<semaphore_mem>>)
      %dma_wait3A_77 = arith.constant 0 : i32
      %dma_wait3A_78 = tpu.memref_slice %arg2[%dma_wait3A_77, %mul3A_2] : memref<200x4096xi32, #tpu.memory_space<hbm>> -> memref<200x128xi32, #tpu.memory_space<hbm>>
      %dma_wait3A_79 = arith.constant 0 : i32
      %dma_wait3A_80 = tpu.memref_slice %arg2[%dma_wait3A_79, %mul3A_2] : memref<200x4096xi32, #tpu.memory_space<hbm>> -> memref<200x128xi32, #tpu.memory_space<hbm>>
      tpu.wait_dma2 semaphore(%run_scoped3A : memref<!tpu.dma_semaphore, #tpu.memory_space<semaphore_mem>>) src(%dma_wait3A_80 : memref<200x128xi32, #tpu.memory_space<hbm>>) dst(%arg5 : memref<200x128xi32, #tpu.memory_space<vmem>>)
      tpu.yield
    }) : () -> ()
    %dma_start3A = arith.constant 0 : i32
    %dma_start3A_3 = arith.constant 0 : i32
    %dma_start3A_4 = arith.constant 0 : i32
    %dma_start3A_5 = arith.constant 0 : i32
    %dma_start3A_6 = arith.constant 0 : i32
    %dma_start3A_7 = tpu.memref_slice %arg6[%dma_start3A_3, %dma_start3A_5, %dma_start3A_6] : memref<4x128x128xf32, #tpu.memory_space<vmem>> -> memref<1x128x128xf32, #tpu.memory_space<vmem>>
    %dma_start3A_8 = tpu.memref_squeeze %dma_start3A_7 : memref<1x128x128xf32, #tpu.memory_space<vmem>> -> memref<128x128xf32, #tpu.memory_space<vmem>>
    %dma_start3A_9 = arith.constant 0 : i32
    %dma_start3A_10 = tpu.memref_slice %arg5[%dma_start3A, %dma_start3A_9] : memref<200x128xi32, #tpu.memory_space<vmem>> -> memref<1x128xi32, #tpu.memory_space<vmem>>
    %dma_start3A_11 = tpu.memref_squeeze %dma_start3A_10 : memref<1x128xi32, #tpu.memory_space<vmem>> -> memref<128xi32, #tpu.memory_space<vmem>>
    %dma_start3A_12 = arith.constant 0 : i32
    %dma_start3A_13 = arith.constant 0 : i32
    %dma_start3A_14 = tpu.memref_slice %arg3[%dma_start3A_12, %dma_start3A_13] : memref<1000000x128xf32, #tpu.memory_space<hbm>> -> memref<1000000x128xf32, #tpu.memory_space<hbm>>
    %dma_start3A_15 = tpu.memref_slice %arg7[%dma_start3A_4] : memref<4x!tpu.dma_semaphore, #tpu.memory_space<semaphore_mem>> -> memref<1x!tpu.dma_semaphore, #tpu.memory_space<semaphore_mem>>
    %dma_start3A_16 = tpu.memref_squeeze %dma_start3A_15 : memref<1x!tpu.dma_semaphore, #tpu.memory_space<semaphore_mem>> -> memref<!tpu.dma_semaphore, #tpu.memory_space<semaphore_mem>>
    tpu.enqueue_indirect_dma source(%dma_start3A_14 : memref<1000000x128xf32, #tpu.memory_space<hbm>>) target(%dma_start3A_8 : memref<128x128xf32, #tpu.memory_space<vmem>>) offsets(%dma_start3A_11 : memref<128xi32, #tpu.memory_space<vmem>>) semaphore(%dma_start3A_16 : memref<!tpu.dma_semaphore, #tpu.memory_space<semaphore_mem>>)
    %dma_start3A_17 = arith.constant 1 : i32
    %dma_start3A_18 = arith.constant 1 : i32
    %dma_start3A_19 = arith.constant 1 : i32
    %dma_start3A_20 = arith.constant 0 : i32
    %dma_start3A_21 = arith.constant 0 : i32
    %dma_start3A_22 = tpu.memref_slice %arg6[%dma_start3A_18, %dma_start3A_20, %dma_start3A_21] : memref<4x128x128xf32, #tpu.memory_space<vmem>> -> memref<1x128x128xf32, #tpu.memory_space<vmem>>
    %dma_start3A_23 = tpu.memref_squeeze %dma_start3A_22 : memref<1x128x128xf32, #tpu.memory_space<vmem>> -> memref<128x128xf32, #tpu.memory_space<vmem>>
    %dma_start3A_24 = arith.constant 0 : i32
    %dma_start3A_25 = tpu.memref_slice %arg5[%dma_start3A_17, %dma_start3A_24] : memref<200x128xi32, #tpu.memory_space<vmem>> -> memref<1x128xi32, #tpu.memory_space<vmem>>
    %dma_start3A_26 = tpu.memref_squeeze %dma_start3A_25 : memref<1x128xi32, #tpu.memory_space<vmem>> -> memref<128xi32, #tpu.memory_space<vmem>>
    %dma_start3A_27 = arith.constant 0 : i32
    %dma_start3A_28 = arith.constant 0 : i32
    %dma_start3A_29 = tpu.memref_slice %arg3[%dma_start3A_27, %dma_start3A_28] : memref<1000000x128xf32, #tpu.memory_space<hbm>> -> memref<1000000x128xf32, #tpu.memory_space<hbm>>
    %dma_start3A_30 = tpu.memref_slice %arg7[%dma_start3A_19] : memref<4x!tpu.dma_semaphore, #tpu.memory_space<semaphore_mem>> -> memref<1x!tpu.dma_semaphore, #tpu.memory_space<semaphore_mem>>
    %dma_start3A_31 = tpu.memref_squeeze %dma_start3A_30 : memref<1x!tpu.dma_semaphore, #tpu.memory_space<semaphore_mem>> -> memref<!tpu.dma_semaphore, #tpu.memory_space<semaphore_mem>>
    tpu.enqueue_indirect_dma source(%dma_start3A_29 : memref<1000000x128xf32, #tpu.memory_space<hbm>>) target(%dma_start3A_23 : memref<128x128xf32, #tpu.memory_space<vmem>>) offsets(%dma_start3A_26 : memref<128xi32, #tpu.memory_space<vmem>>) semaphore(%dma_start3A_31 : memref<!tpu.dma_semaphore, #tpu.memory_space<semaphore_mem>>)
    %scan3A = arith.constant 0 : i32
    %scan3A_32 = arith.constant 0 : i32
    %scan3A_33 = arith.constant 50 : i32
    %scan3A_34 = arith.addi %scan3A_32, %scan3A_33 : i32
    %scan3A_35 = arith.constant 1 : i32
    %scan3A_36 = scf.for %scan3A_73 = %scan3A_32 to %scan3A_34 step %scan3A_35 iter_args(%scan3A_74 = %scan3A) -> (i32)  : i32 {
      %mul3A_75 = arith.constant 4 : i32
      %mul3A_76 = arith.muli %scan3A_73, %mul3A_75 : i32
      %add3A_77 = arith.constant 0 : i32
      %add3A_78 = arith.addi %mul3A_76, %add3A_77 : i32
      %add3A_79 = arith.constant 2 : i32
      %add3A_80 = arith.addi %add3A_78, %add3A_79 : i32
      %sub3A = arith.constant 4 : i32
      %sub3A_81 = arith.subi %add3A_80, %sub3A : i32
      %ge3A = arith.constant 0 : i32
      %ge3A_82 = arith.cmpi sge, %sub3A_81, %ge3A : i32
      %convert_element_type3A = arith.extui %ge3A_82 : i1 to i32
      %cond3A = arith.constant 0 : i32
      %cond3A_83 = arith.cmpi ne, %convert_element_type3A, %cond3A : i32
      scf.if %cond3A_83 {
        %mul3A_283 = arith.constant 4096 : i32
        %mul3A_284 = arith.muli %sub3A_81, %mul3A_283 : i32
        %add3A_285 = arith.addi %mul3A_284, %mul3A_2 : i32
        %dma_wait3A_286 = arith.constant 2 : i32
        %dma_wait3A_287 = arith.constant 2 : i32
        %dma_wait3A_288 = arith.constant 0 : i32
        %dma_wait3A_289 = arith.constant 0 : i32
        %dma_wait3A_290 = tpu.memref_slice %arg6[%dma_wait3A_286, %dma_wait3A_288, %dma_wait3A_289] : memref<4x128x128xf32, #tpu.memory_space<vmem>> -> memref<1x128x128xf32, #tpu.memory_space<vmem>>
        %dma_wait3A_291 = tpu.memref_squeeze %dma_wait3A_290 : memref<1x128x128xf32, #tpu.memory_space<vmem>> -> memref<128x128xf32, #tpu.memory_space<vmem>>
        %dma_wait3A_292 = arith.constant 0 : i32
        %dma_wait3A_293 = tpu.memref_slice %arg4[%add3A_285, %dma_wait3A_292] : memref<819200x128xf32, #tpu.memory_space<hbm>> -> memref<128x128xf32, #tpu.memory_space<hbm>>
        %dma_wait3A_294 = tpu.memref_slice %arg8[%dma_wait3A_287] : memref<4x!tpu.dma_semaphore, #tpu.memory_space<semaphore_mem>> -> memref<1x!tpu.dma_semaphore, #tpu.memory_space<semaphore_mem>>
        %dma_wait3A_295 = tpu.memref_squeeze %dma_wait3A_294 : memref<1x!tpu.dma_semaphore, #tpu.memory_space<semaphore_mem>> -> memref<!tpu.dma_semaphore, #tpu.memory_space<semaphore_mem>>
        %dma_wait3A_296 = arith.constant 0 : i32
        %dma_wait3A_297 = tpu.memref_slice %arg4[%add3A_285, %dma_wait3A_296] : memref<819200x128xf32, #tpu.memory_space<hbm>> -> memref<128x128xf32, #tpu.memory_space<hbm>>
        %dma_wait3A_298 = arith.constant 0 : i32
        %dma_wait3A_299 = arith.constant 0 : i32
        %dma_wait3A_300 = tpu.memref_slice %arg6[%dma_wait3A_286, %dma_wait3A_298, %dma_wait3A_299] : memref<4x128x128xf32, #tpu.memory_space<vmem>> -> memref<1x128x128xf32, #tpu.memory_space<vmem>>
        %dma_wait3A_301 = tpu.memref_squeeze %dma_wait3A_300 : memref<1x128x128xf32, #tpu.memory_space<vmem>> -> memref<128x128xf32, #tpu.memory_space<vmem>>
        tpu.wait_dma2 semaphore(%dma_wait3A_295 : memref<!tpu.dma_semaphore, #tpu.memory_space<semaphore_mem>>) src(%dma_wait3A_301 : memref<128x128xf32, #tpu.memory_space<vmem>>) dst(%dma_wait3A_297 : memref<128x128xf32, #tpu.memory_space<hbm>>)
      } else {
      }
      %add3A_84 = arith.constant 2 : i32
      %add3A_85 = arith.addi %add3A_78, %add3A_84 : i32
      %lt3A = arith.constant 200 : i32
      %lt3A_86 = arith.cmpi slt, %add3A_85, %lt3A : i32
      %convert_element_type3A_87 = arith.extui %lt3A_86 : i1 to i32
      %cond3A_88 = arith.constant 0 : i32
      %cond3A_89 = arith.cmpi ne, %convert_element_type3A_87, %cond3A_88 : i32
      scf.if %cond3A_89 {
        %add3A_283 = arith.constant 2 : i32
        %add3A_284 = arith.addi %add3A_78, %add3A_283 : i32
        %dma_start3A_285 = arith.constant 2 : i32
        %dma_start3A_286 = arith.constant 2 : i32
        %dma_start3A_287 = arith.constant 0 : i32
        %dma_start3A_288 = arith.constant 0 : i32
        %dma_start3A_289 = tpu.memref_slice %arg6[%dma_start3A_285, %dma_start3A_287, %dma_start3A_288] : memref<4x128x128xf32, #tpu.memory_space<vmem>> -> memref<1x128x128xf32, #tpu.memory_space<vmem>>
        %dma_start3A_290 = tpu.memref_squeeze %dma_start3A_289 : memref<1x128x128xf32, #tpu.memory_space<vmem>> -> memref<128x128xf32, #tpu.memory_space<vmem>>
        %dma_start3A_291 = arith.constant 0 : i32
        %dma_start3A_292 = tpu.memref_slice %arg5[%add3A_284, %dma_start3A_291] : memref<200x128xi32, #tpu.memory_space<vmem>> -> memref<1x128xi32, #tpu.memory_space<vmem>>
        %dma_start3A_293 = tpu.memref_squeeze %dma_start3A_292 : memref<1x128xi32, #tpu.memory_space<vmem>> -> memref<128xi32, #tpu.memory_space<vmem>>
        %dma_start3A_294 = arith.constant 0 : i32
        %dma_start3A_295 = arith.constant 0 : i32
        %dma_start3A_296 = tpu.memref_slice %arg3[%dma_start3A_294, %dma_start3A_295] : memref<1000000x128xf32, #tpu.memory_space<hbm>> -> memref<1000000x128xf32, #tpu.memory_space<hbm>>
        %dma_start3A_297 = tpu.memref_slice %arg7[%dma_start3A_286] : memref<4x!tpu.dma_semaphore, #tpu.memory_space<semaphore_mem>> -> memref<1x!tpu.dma_semaphore, #tpu.memory_space<semaphore_mem>>
        %dma_start3A_298 = tpu.memref_squeeze %dma_start3A_297 : memref<1x!tpu.dma_semaphore, #tpu.memory_space<semaphore_mem>> -> memref<!tpu.dma_semaphore, #tpu.memory_space<semaphore_mem>>
        tpu.enqueue_indirect_dma source(%dma_start3A_296 : memref<1000000x128xf32, #tpu.memory_space<hbm>>) target(%dma_start3A_290 : memref<128x128xf32, #tpu.memory_space<vmem>>) offsets(%dma_start3A_293 : memref<128xi32, #tpu.memory_space<vmem>>) semaphore(%dma_start3A_298 : memref<!tpu.dma_semaphore, #tpu.memory_space<semaphore_mem>>)
      } else {
      }
      %dma_wait3A_90 = arith.constant 0 : i32
      %dma_wait3A_91 = arith.constant 0 : i32
      %dma_wait3A_92 = arith.constant 0 : i32
      %dma_wait3A_93 = arith.constant 0 : i32
      %dma_wait3A_94 = tpu.memref_slice %arg6[%dma_wait3A_90, %dma_wait3A_92, %dma_wait3A_93] : memref<4x128x128xf32, #tpu.memory_space<vmem>> -> memref<1x128x128xf32, #tpu.memory_space<vmem>>
      %dma_wait3A_95 = tpu.memref_squeeze %dma_wait3A_94 : memref<1x128x128xf32, #tpu.memory_space<vmem>> -> memref<128x128xf32, #tpu.memory_space<vmem>>
      %dma_wait3A_96 = arith.constant 0 : i32
      %dma_wait3A_97 = tpu.memref_slice %arg5[%add3A_78, %dma_wait3A_96] : memref<200x128xi32, #tpu.memory_space<vmem>> -> memref<1x128xi32, #tpu.memory_space<vmem>>
      %dma_wait3A_98 = tpu.memref_squeeze %dma_wait3A_97 : memref<1x128xi32, #tpu.memory_space<vmem>> -> memref<128xi32, #tpu.memory_space<vmem>>
      %dma_wait3A_99 = arith.constant 0 : i32
      %dma_wait3A_100 = arith.constant 0 : i32
      %dma_wait3A_101 = tpu.memref_slice %arg3[%dma_wait3A_99, %dma_wait3A_100] : memref<1000000x128xf32, #tpu.memory_space<hbm>> -> memref<1000000x128xf32, #tpu.memory_space<hbm>>
      %dma_wait3A_102 = tpu.memref_slice %arg7[%dma_wait3A_91] : memref<4x!tpu.dma_semaphore, #tpu.memory_space<semaphore_mem>> -> memref<1x!tpu.dma_semaphore, #tpu.memory_space<semaphore_mem>>
      %dma_wait3A_103 = tpu.memref_squeeze %dma_wait3A_102 : memref<1x!tpu.dma_semaphore, #tpu.memory_space<semaphore_mem>> -> memref<!tpu.dma_semaphore, #tpu.memory_space<semaphore_mem>>
      tpu.wait_indirect_dma semaphore(%dma_wait3A_103 : memref<!tpu.dma_semaphore, #tpu.memory_space<semaphore_mem>>) src(%dma_wait3A_101 : memref<1000000x128xf32, #tpu.memory_space<hbm>>) dst(%dma_wait3A_95 : memref<128x128xf32, #tpu.memory_space<vmem>>)
      %mul3A_104 = arith.constant 4096 : i32
      %mul3A_105 = arith.muli %add3A_78, %mul3A_104 : i32
      %add3A_106 = arith.addi %mul3A_105, %mul3A_2 : i32
      %dma_start3A_107 = arith.constant 0 : i32
      %dma_start3A_108 = arith.constant 0 : i32
      %dma_start3A_109 = arith.constant 0 : i32
      %dma_start3A_110 = arith.constant 0 : i32
      %dma_start3A_111 = tpu.memref_slice %arg6[%dma_start3A_107, %dma_start3A_109, %dma_start3A_110] : memref<4x128x128xf32, #tpu.memory_space<vmem>> -> memref<1x128x128xf32, #tpu.memory_space<vmem>>
      %dma_start3A_112 = tpu.memref_squeeze %dma_start3A_111 : memref<1x128x128xf32, #tpu.memory_space<vmem>> -> memref<128x128xf32, #tpu.memory_space<vmem>>
      %dma_start3A_113 = arith.constant 0 : i32
      %dma_start3A_114 = tpu.memref_slice %arg4[%add3A_106, %dma_start3A_113] : memref<819200x128xf32, #tpu.memory_space<hbm>> -> memref<128x128xf32, #tpu.memory_space<hbm>>
      %dma_start3A_115 = tpu.memref_slice %arg8[%dma_start3A_108] : memref<4x!tpu.dma_semaphore, #tpu.memory_space<semaphore_mem>> -> memref<1x!tpu.dma_semaphore, #tpu.memory_space<semaphore_mem>>
      %dma_start3A_116 = tpu.memref_squeeze %dma_start3A_115 : memref<1x!tpu.dma_semaphore, #tpu.memory_space<semaphore_mem>> -> memref<!tpu.dma_semaphore, #tpu.memory_space<semaphore_mem>>
      %dma_start3A_117 = arith.constant 0 : i32
      %dma_start3A_118 = tpu.memref_slice %arg4[%add3A_106, %dma_start3A_117] : memref<819200x128xf32, #tpu.memory_space<hbm>> -> memref<128x128xf32, #tpu.memory_space<hbm>>
      %dma_start3A_119 = arith.constant 0 : i32
      %dma_start3A_120 = arith.constant 0 : i32
      %dma_start3A_121 = tpu.memref_slice %arg6[%dma_start3A_107, %dma_start3A_119, %dma_start3A_120] : memref<4x128x128xf32, #tpu.memory_space<vmem>> -> memref<1x128x128xf32, #tpu.memory_space<vmem>>
      %dma_start3A_122 = tpu.memref_squeeze %dma_start3A_121 : memref<1x128x128xf32, #tpu.memory_space<vmem>> -> memref<128x128xf32, #tpu.memory_space<vmem>>
      tpu.enqueue_dma source(%dma_start3A_122 : memref<128x128xf32, #tpu.memory_space<vmem>>) target(%dma_start3A_118 : memref<128x128xf32, #tpu.memory_space<hbm>>) target_semaphore(%dma_start3A_116 : memref<!tpu.dma_semaphore, #tpu.memory_space<semaphore_mem>>)
      %mul3A_123 = arith.constant 4 : i32
      %mul3A_124 = arith.muli %scan3A_73, %mul3A_123 : i32
      %add3A_125 = arith.constant 1 : i32
      %add3A_126 = arith.addi %mul3A_124, %add3A_125 : i32
      %add3A_127 = arith.constant 2 : i32
      %add3A_128 = arith.addi %add3A_126, %add3A_127 : i32
      %sub3A_129 = arith.constant 4 : i32
      %sub3A_130 = arith.subi %add3A_128, %sub3A_129 : i32
      %ge3A_131 = arith.constant 0 : i32
      %ge3A_132 = arith.cmpi sge, %sub3A_130, %ge3A_131 : i32
      %convert_element_type3A_133 = arith.extui %ge3A_132 : i1 to i32
      %cond3A_134 = arith.constant 0 : i32
      %cond3A_135 = arith.cmpi ne, %convert_element_type3A_133, %cond3A_134 : i32
      scf.if %cond3A_135 {
        %mul3A_283 = arith.constant 4096 : i32
        %mul3A_284 = arith.muli %sub3A_130, %mul3A_283 : i32
        %add3A_285 = arith.addi %mul3A_284, %mul3A_2 : i32
        %dma_wait3A_286 = arith.constant 3 : i32
        %dma_wait3A_287 = arith.constant 3 : i32
        %dma_wait3A_288 = arith.constant 0 : i32
        %dma_wait3A_289 = arith.constant 0 : i32
        %dma_wait3A_290 = tpu.memref_slice %arg6[%dma_wait3A_286, %dma_wait3A_288, %dma_wait3A_289] : memref<4x128x128xf32, #tpu.memory_space<vmem>> -> memref<1x128x128xf32, #tpu.memory_space<vmem>>
        %dma_wait3A_291 = tpu.memref_squeeze %dma_wait3A_290 : memref<1x128x128xf32, #tpu.memory_space<vmem>> -> memref<128x128xf32, #tpu.memory_space<vmem>>
        %dma_wait3A_292 = arith.constant 0 : i32
        %dma_wait3A_293 = tpu.memref_slice %arg4[%add3A_285, %dma_wait3A_292] : memref<819200x128xf32, #tpu.memory_space<hbm>> -> memref<128x128xf32, #tpu.memory_space<hbm>>
        %dma_wait3A_294 = tpu.memref_slice %arg8[%dma_wait3A_287] : memref<4x!tpu.dma_semaphore, #tpu.memory_space<semaphore_mem>> -> memref<1x!tpu.dma_semaphore, #tpu.memory_space<semaphore_mem>>
        %dma_wait3A_295 = tpu.memref_squeeze %dma_wait3A_294 : memref<1x!tpu.dma_semaphore, #tpu.memory_space<semaphore_mem>> -> memref<!tpu.dma_semaphore, #tpu.memory_space<semaphore_mem>>
        %dma_wait3A_296 = arith.constant 0 : i32
        %dma_wait3A_297 = tpu.memref_slice %arg4[%add3A_285, %dma_wait3A_296] : memref<819200x128xf32, #tpu.memory_space<hbm>> -> memref<128x128xf32, #tpu.memory_space<hbm>>
        %dma_wait3A_298 = arith.constant 0 : i32
        %dma_wait3A_299 = arith.constant 0 : i32
        %dma_wait3A_300 = tpu.memref_slice %arg6[%dma_wait3A_286, %dma_wait3A_298, %dma_wait3A_299] : memref<4x128x128xf32, #tpu.memory_space<vmem>> -> memref<1x128x128xf32, #tpu.memory_space<vmem>>
        %dma_wait3A_301 = tpu.memref_squeeze %dma_wait3A_300 : memref<1x128x128xf32, #tpu.memory_space<vmem>> -> memref<128x128xf32, #tpu.memory_space<vmem>>
        tpu.wait_dma2 semaphore(%dma_wait3A_295 : memref<!tpu.dma_semaphore, #tpu.memory_space<semaphore_mem>>) src(%dma_wait3A_301 : memref<128x128xf32, #tpu.memory_space<vmem>>) dst(%dma_wait3A_297 : memref<128x128xf32, #tpu.memory_space<hbm>>)
      } else {
      }
      %add3A_136 = arith.constant 2 : i32
      %add3A_137 = arith.addi %add3A_126, %add3A_136 : i32
      %lt3A_138 = arith.constant 200 : i32
      %lt3A_139 = arith.cmpi slt, %add3A_137, %lt3A_138 : i32
      %convert_element_type3A_140 = arith.extui %lt3A_139 : i1 to i32
      %cond3A_141 = arith.constant 0 : i32
      %cond3A_142 = arith.cmpi ne, %convert_element_type3A_140, %cond3A_141 : i32
      scf.if %cond3A_142 {
        %add3A_283 = arith.constant 2 : i32
        %add3A_284 = arith.addi %add3A_126, %add3A_283 : i32
        %dma_start3A_285 = arith.constant 3 : i32
        %dma_start3A_286 = arith.constant 3 : i32
        %dma_start3A_287 = arith.constant 0 : i32
        %dma_start3A_288 = arith.constant 0 : i32
        %dma_start3A_289 = tpu.memref_slice %arg6[%dma_start3A_285, %dma_start3A_287, %dma_start3A_288] : memref<4x128x128xf32, #tpu.memory_space<vmem>> -> memref<1x128x128xf32, #tpu.memory_space<vmem>>
        %dma_start3A_290 = tpu.memref_squeeze %dma_start3A_289 : memref<1x128x128xf32, #tpu.memory_space<vmem>> -> memref<128x128xf32, #tpu.memory_space<vmem>>
        %dma_start3A_291 = arith.constant 0 : i32
        %dma_start3A_292 = tpu.memref_slice %arg5[%add3A_284, %dma_start3A_291] : memref<200x128xi32, #tpu.memory_space<vmem>> -> memref<1x128xi32, #tpu.memory_space<vmem>>
        %dma_start3A_293 = tpu.memref_squeeze %dma_start3A_292 : memref<1x128xi32, #tpu.memory_space<vmem>> -> memref<128xi32, #tpu.memory_space<vmem>>
        %dma_start3A_294 = arith.constant 0 : i32
        %dma_start3A_295 = arith.constant 0 : i32
        %dma_start3A_296 = tpu.memref_slice %arg3[%dma_start3A_294, %dma_start3A_295] : memref<1000000x128xf32, #tpu.memory_space<hbm>> -> memref<1000000x128xf32, #tpu.memory_space<hbm>>
        %dma_start3A_297 = tpu.memref_slice %arg7[%dma_start3A_286] : memref<4x!tpu.dma_semaphore, #tpu.memory_space<semaphore_mem>> -> memref<1x!tpu.dma_semaphore, #tpu.memory_space<semaphore_mem>>
        %dma_start3A_298 = tpu.memref_squeeze %dma_start3A_297 : memref<1x!tpu.dma_semaphore, #tpu.memory_space<semaphore_mem>> -> memref<!tpu.dma_semaphore, #tpu.memory_space<semaphore_mem>>
        tpu.enqueue_indirect_dma source(%dma_start3A_296 : memref<1000000x128xf32, #tpu.memory_space<hbm>>) target(%dma_start3A_290 : memref<128x128xf32, #tpu.memory_space<vmem>>) offsets(%dma_start3A_293 : memref<128xi32, #tpu.memory_space<vmem>>) semaphore(%dma_start3A_298 : memref<!tpu.dma_semaphore, #tpu.memory_space<semaphore_mem>>)
      } else {
      }
      %dma_wait3A_143 = arith.constant 1 : i32
      %dma_wait3A_144 = arith.constant 1 : i32
      %dma_wait3A_145 = arith.constant 0 : i32
      %dma_wait3A_146 = arith.constant 0 : i32
      %dma_wait3A_147 = tpu.memref_slice %arg6[%dma_wait3A_143, %dma_wait3A_145, %dma_wait3A_146] : memref<4x128x128xf32, #tpu.memory_space<vmem>> -> memref<1x128x128xf32, #tpu.memory_space<vmem>>
      %dma_wait3A_148 = tpu.memref_squeeze %dma_wait3A_147 : memref<1x128x128xf32, #tpu.memory_space<vmem>> -> memref<128x128xf32, #tpu.memory_space<vmem>>
      %dma_wait3A_149 = arith.constant 0 : i32
      %dma_wait3A_150 = tpu.memref_slice %arg5[%add3A_126, %dma_wait3A_149] : memref<200x128xi32, #tpu.memory_space<vmem>> -> memref<1x128xi32, #tpu.memory_space<vmem>>
      %dma_wait3A_151 = tpu.memref_squeeze %dma_wait3A_150 : memref<1x128xi32, #tpu.memory_space<vmem>> -> memref<128xi32, #tpu.memory_space<vmem>>
      %dma_wait3A_152 = arith.constant 0 : i32
      %dma_wait3A_153 = arith.constant 0 : i32
      %dma_wait3A_154 = tpu.memref_slice %arg3[%dma_wait3A_152, %dma_wait3A_153] : memref<1000000x128xf32, #tpu.memory_space<hbm>> -> memref<1000000x128xf32, #tpu.memory_space<hbm>>
      %dma_wait3A_155 = tpu.memref_slice %arg7[%dma_wait3A_144] : memref<4x!tpu.dma_semaphore, #tpu.memory_space<semaphore_mem>> -> memref<1x!tpu.dma_semaphore, #tpu.memory_space<semaphore_mem>>
      %dma_wait3A_156 = tpu.memref_squeeze %dma_wait3A_155 : memref<1x!tpu.dma_semaphore, #tpu.memory_space<semaphore_mem>> -> memref<!tpu.dma_semaphore, #tpu.memory_space<semaphore_mem>>
      tpu.wait_indirect_dma semaphore(%dma_wait3A_156 : memref<!tpu.dma_semaphore, #tpu.memory_space<semaphore_mem>>) src(%dma_wait3A_154 : memref<1000000x128xf32, #tpu.memory_space<hbm>>) dst(%dma_wait3A_148 : memref<128x128xf32, #tpu.memory_space<vmem>>)
      %mul3A_157 = arith.constant 4096 : i32
      %mul3A_158 = arith.muli %add3A_126, %mul3A_157 : i32
      %add3A_159 = arith.addi %mul3A_158, %mul3A_2 : i32
      %dma_start3A_160 = arith.constant 1 : i32
      %dma_start3A_161 = arith.constant 1 : i32
      %dma_start3A_162 = arith.constant 0 : i32
      %dma_start3A_163 = arith.constant 0 : i32
      %dma_start3A_164 = tpu.memref_slice %arg6[%dma_start3A_160, %dma_start3A_162, %dma_start3A_163] : memref<4x128x128xf32, #tpu.memory_space<vmem>> -> memref<1x128x128xf32, #tpu.memory_space<vmem>>
      %dma_start3A_165 = tpu.memref_squeeze %dma_start3A_164 : memref<1x128x128xf32, #tpu.memory_space<vmem>> -> memref<128x128xf32, #tpu.memory_space<vmem>>
      %dma_start3A_166 = arith.constant 0 : i32
      %dma_start3A_167 = tpu.memref_slice %arg4[%add3A_159, %dma_start3A_166] : memref<819200x128xf32, #tpu.memory_space<hbm>> -> memref<128x128xf32, #tpu.memory_space<hbm>>
      %dma_start3A_168 = tpu.memref_slice %arg8[%dma_start3A_161] : memref<4x!tpu.dma_semaphore, #tpu.memory_space<semaphore_mem>> -> memref<1x!tpu.dma_semaphore, #tpu.memory_space<semaphore_mem>>
      %dma_start3A_169 = tpu.memref_squeeze %dma_start3A_168 : memref<1x!tpu.dma_semaphore, #tpu.memory_space<semaphore_mem>> -> memref<!tpu.dma_semaphore, #tpu.memory_space<semaphore_mem>>
      %dma_start3A_170 = arith.constant 0 : i32
      %dma_start3A_171 = tpu.memref_slice %arg4[%add3A_159, %dma_start3A_170] : memref<819200x128xf32, #tpu.memory_space<hbm>> -> memref<128x128xf32, #tpu.memory_space<hbm>>
      %dma_start3A_172 = arith.constant 0 : i32
      %dma_start3A_173 = arith.constant 0 : i32
      %dma_start3A_174 = tpu.memref_slice %arg6[%dma_start3A_160, %dma_start3A_172, %dma_start3A_173] : memref<4x128x128xf32, #tpu.memory_space<vmem>> -> memref<1x128x128xf32, #tpu.memory_space<vmem>>
      %dma_start3A_175 = tpu.memref_squeeze %dma_start3A_174 : memref<1x128x128xf32, #tpu.memory_space<vmem>> -> memref<128x128xf32, #tpu.memory_space<vmem>>
      tpu.enqueue_dma source(%dma_start3A_175 : memref<128x128xf32, #tpu.memory_space<vmem>>) target(%dma_start3A_171 : memref<128x128xf32, #tpu.memory_space<hbm>>) target_semaphore(%dma_start3A_169 : memref<!tpu.dma_semaphore, #tpu.memory_space<semaphore_mem>>)
      %mul3A_176 = arith.constant 4 : i32
      %mul3A_177 = arith.muli %scan3A_73, %mul3A_176 : i32
      %add3A_178 = arith.constant 2 : i32
      %add3A_179 = arith.addi %mul3A_177, %add3A_178 : i32
      %add3A_180 = arith.constant 2 : i32
      %add3A_181 = arith.addi %add3A_179, %add3A_180 : i32
      %sub3A_182 = arith.constant 4 : i32
      %sub3A_183 = arith.subi %add3A_181, %sub3A_182 : i32
      %ge3A_184 = arith.constant 0 : i32
      %ge3A_185 = arith.cmpi sge, %sub3A_183, %ge3A_184 : i32
      %convert_element_type3A_186 = arith.extui %ge3A_185 : i1 to i32
      %cond3A_187 = arith.constant 0 : i32
      %cond3A_188 = arith.cmpi ne, %convert_element_type3A_186, %cond3A_187 : i32
      scf.if %cond3A_188 {
        %mul3A_283 = arith.constant 4096 : i32
        %mul3A_284 = arith.muli %sub3A_183, %mul3A_283 : i32
        %add3A_285 = arith.addi %mul3A_284, %mul3A_2 : i32
        %dma_wait3A_286 = arith.constant 0 : i32
        %dma_wait3A_287 = arith.constant 0 : i32
        %dma_wait3A_288 = arith.constant 0 : i32
        %dma_wait3A_289 = arith.constant 0 : i32
        %dma_wait3A_290 = tpu.memref_slice %arg6[%dma_wait3A_286, %dma_wait3A_288, %dma_wait3A_289] : memref<4x128x128xf32, #tpu.memory_space<vmem>> -> memref<1x128x128xf32, #tpu.memory_space<vmem>>
        %dma_wait3A_291 = tpu.memref_squeeze %dma_wait3A_290 : memref<1x128x128xf32, #tpu.memory_space<vmem>> -> memref<128x128xf32, #tpu.memory_space<vmem>>
        %dma_wait3A_292 = arith.constant 0 : i32
        %dma_wait3A_293 = tpu.memref_slice %arg4[%add3A_285, %dma_wait3A_292] : memref<819200x128xf32, #tpu.memory_space<hbm>> -> memref<128x128xf32, #tpu.memory_space<hbm>>
        %dma_wait3A_294 = tpu.memref_slice %arg8[%dma_wait3A_287] : memref<4x!tpu.dma_semaphore, #tpu.memory_space<semaphore_mem>> -> memref<1x!tpu.dma_semaphore, #tpu.memory_space<semaphore_mem>>
        %dma_wait3A_295 = tpu.memref_squeeze %dma_wait3A_294 : memref<1x!tpu.dma_semaphore, #tpu.memory_space<semaphore_mem>> -> memref<!tpu.dma_semaphore, #tpu.memory_space<semaphore_mem>>
        %dma_wait3A_296 = arith.constant 0 : i32
        %dma_wait3A_297 = tpu.memref_slice %arg4[%add3A_285, %dma_wait3A_296] : memref<819200x128xf32, #tpu.memory_space<hbm>> -> memref<128x128xf32, #tpu.memory_space<hbm>>
        %dma_wait3A_298 = arith.constant 0 : i32
        %dma_wait3A_299 = arith.constant 0 : i32
        %dma_wait3A_300 = tpu.memref_slice %arg6[%dma_wait3A_286, %dma_wait3A_298, %dma_wait3A_299] : memref<4x128x128xf32, #tpu.memory_space<vmem>> -> memref<1x128x128xf32, #tpu.memory_space<vmem>>
        %dma_wait3A_301 = tpu.memref_squeeze %dma_wait3A_300 : memref<1x128x128xf32, #tpu.memory_space<vmem>> -> memref<128x128xf32, #tpu.memory_space<vmem>>
        tpu.wait_dma2 semaphore(%dma_wait3A_295 : memref<!tpu.dma_semaphore, #tpu.memory_space<semaphore_mem>>) src(%dma_wait3A_301 : memref<128x128xf32, #tpu.memory_space<vmem>>) dst(%dma_wait3A_297 : memref<128x128xf32, #tpu.memory_space<hbm>>)
      } else {
      }
      %add3A_189 = arith.constant 2 : i32
      %add3A_190 = arith.addi %add3A_179, %add3A_189 : i32
      %lt3A_191 = arith.constant 200 : i32
      %lt3A_192 = arith.cmpi slt, %add3A_190, %lt3A_191 : i32
      %convert_element_type3A_193 = arith.extui %lt3A_192 : i1 to i32
      %cond3A_194 = arith.constant 0 : i32
      %cond3A_195 = arith.cmpi ne, %convert_element_type3A_193, %cond3A_194 : i32
      scf.if %cond3A_195 {
        %add3A_283 = arith.constant 2 : i32
        %add3A_284 = arith.addi %add3A_179, %add3A_283 : i32
        %dma_start3A_285 = arith.constant 0 : i32
        %dma_start3A_286 = arith.constant 0 : i32
        %dma_start3A_287 = arith.constant 0 : i32
        %dma_start3A_288 = arith.constant 0 : i32
        %dma_start3A_289 = tpu.memref_slice %arg6[%dma_start3A_285, %dma_start3A_287, %dma_start3A_288] : memref<4x128x128xf32, #tpu.memory_space<vmem>> -> memref<1x128x128xf32, #tpu.memory_space<vmem>>
        %dma_start3A_290 = tpu.memref_squeeze %dma_start3A_289 : memref<1x128x128xf32, #tpu.memory_space<vmem>> -> memref<128x128xf32, #tpu.memory_space<vmem>>
        %dma_start3A_291 = arith.constant 0 : i32
        %dma_start3A_292 = tpu.memref_slice %arg5[%add3A_284, %dma_start3A_291] : memref<200x128xi32, #tpu.memory_space<vmem>> -> memref<1x128xi32, #tpu.memory_space<vmem>>
        %dma_start3A_293 = tpu.memref_squeeze %dma_start3A_292 : memref<1x128xi32, #tpu.memory_space<vmem>> -> memref<128xi32, #tpu.memory_space<vmem>>
        %dma_start3A_294 = arith.constant 0 : i32
        %dma_start3A_295 = arith.constant 0 : i32
        %dma_start3A_296 = tpu.memref_slice %arg3[%dma_start3A_294, %dma_start3A_295] : memref<1000000x128xf32, #tpu.memory_space<hbm>> -> memref<1000000x128xf32, #tpu.memory_space<hbm>>
        %dma_start3A_297 = tpu.memref_slice %arg7[%dma_start3A_286] : memref<4x!tpu.dma_semaphore, #tpu.memory_space<semaphore_mem>> -> memref<1x!tpu.dma_semaphore, #tpu.memory_space<semaphore_mem>>
        %dma_start3A_298 = tpu.memref_squeeze %dma_start3A_297 : memref<1x!tpu.dma_semaphore, #tpu.memory_space<semaphore_mem>> -> memref<!tpu.dma_semaphore, #tpu.memory_space<semaphore_mem>>
        tpu.enqueue_indirect_dma source(%dma_start3A_296 : memref<1000000x128xf32, #tpu.memory_space<hbm>>) target(%dma_start3A_290 : memref<128x128xf32, #tpu.memory_space<vmem>>) offsets(%dma_start3A_293 : memref<128xi32, #tpu.memory_space<vmem>>) semaphore(%dma_start3A_298 : memref<!tpu.dma_semaphore, #tpu.memory_space<semaphore_mem>>)
      } else {
      }
      %dma_wait3A_196 = arith.constant 2 : i32
      %dma_wait3A_197 = arith.constant 2 : i32
      %dma_wait3A_198 = arith.constant 0 : i32
      %dma_wait3A_199 = arith.constant 0 : i32
      %dma_wait3A_200 = tpu.memref_slice %arg6[%dma_wait3A_196, %dma_wait3A_198, %dma_wait3A_199] : memref<4x128x128xf32, #tpu.memory_space<vmem>> -> memref<1x128x128xf32, #tpu.memory_space<vmem>>
      %dma_wait3A_201 = tpu.memref_squeeze %dma_wait3A_200 : memref<1x128x128xf32, #tpu.memory_space<vmem>> -> memref<128x128xf32, #tpu.memory_space<vmem>>
      %dma_wait3A_202 = arith.constant 0 : i32
      %dma_wait3A_203 = tpu.memref_slice %arg5[%add3A_179, %dma_wait3A_202] : memref<200x128xi32, #tpu.memory_space<vmem>> -> memref<1x128xi32, #tpu.memory_space<vmem>>
      %dma_wait3A_204 = tpu.memref_squeeze %dma_wait3A_203 : memref<1x128xi32, #tpu.memory_space<vmem>> -> memref<128xi32, #tpu.memory_space<vmem>>
      %dma_wait3A_205 = arith.constant 0 : i32
      %dma_wait3A_206 = arith.constant 0 : i32
      %dma_wait3A_207 = tpu.memref_slice %arg3[%dma_wait3A_205, %dma_wait3A_206] : memref<1000000x128xf32, #tpu.memory_space<hbm>> -> memref<1000000x128xf32, #tpu.memory_space<hbm>>
      %dma_wait3A_208 = tpu.memref_slice %arg7[%dma_wait3A_197] : memref<4x!tpu.dma_semaphore, #tpu.memory_space<semaphore_mem>> -> memref<1x!tpu.dma_semaphore, #tpu.memory_space<semaphore_mem>>
      %dma_wait3A_209 = tpu.memref_squeeze %dma_wait3A_208 : memref<1x!tpu.dma_semaphore, #tpu.memory_space<semaphore_mem>> -> memref<!tpu.dma_semaphore, #tpu.memory_space<semaphore_mem>>
      tpu.wait_indirect_dma semaphore(%dma_wait3A_209 : memref<!tpu.dma_semaphore, #tpu.memory_space<semaphore_mem>>) src(%dma_wait3A_207 : memref<1000000x128xf32, #tpu.memory_space<hbm>>) dst(%dma_wait3A_201 : memref<128x128xf32, #tpu.memory_space<vmem>>)
      %mul3A_210 = arith.constant 4096 : i32
      %mul3A_211 = arith.muli %add3A_179, %mul3A_210 : i32
      %add3A_212 = arith.addi %mul3A_211, %mul3A_2 : i32
      %dma_start3A_213 = arith.constant 2 : i32
      %dma_start3A_214 = arith.constant 2 : i32
      %dma_start3A_215 = arith.constant 0 : i32
      %dma_start3A_216 = arith.constant 0 : i32
      %dma_start3A_217 = tpu.memref_slice %arg6[%dma_start3A_213, %dma_start3A_215, %dma_start3A_216] : memref<4x128x128xf32, #tpu.memory_space<vmem>> -> memref<1x128x128xf32, #tpu.memory_space<vmem>>
      %dma_start3A_218 = tpu.memref_squeeze %dma_start3A_217 : memref<1x128x128xf32, #tpu.memory_space<vmem>> -> memref<128x128xf32, #tpu.memory_space<vmem>>
      %dma_start3A_219 = arith.constant 0 : i32
      %dma_start3A_220 = tpu.memref_slice %arg4[%add3A_212, %dma_start3A_219] : memref<819200x128xf32, #tpu.memory_space<hbm>> -> memref<128x128xf32, #tpu.memory_space<hbm>>
      %dma_start3A_221 = tpu.memref_slice %arg8[%dma_start3A_214] : memref<4x!tpu.dma_semaphore, #tpu.memory_space<semaphore_mem>> -> memref<1x!tpu.dma_semaphore, #tpu.memory_space<semaphore_mem>>
      %dma_start3A_222 = tpu.memref_squeeze %dma_start3A_221 : memref<1x!tpu.dma_semaphore, #tpu.memory_space<semaphore_mem>> -> memref<!tpu.dma_semaphore, #tpu.memory_space<semaphore_mem>>
      %dma_start3A_223 = arith.constant 0 : i32
      %dma_start3A_224 = tpu.memref_slice %arg4[%add3A_212, %dma_start3A_223] : memref<819200x128xf32, #tpu.memory_space<hbm>> -> memref<128x128xf32, #tpu.memory_space<hbm>>
      %dma_start3A_225 = arith.constant 0 : i32
      %dma_start3A_226 = arith.constant 0 : i32
      %dma_start3A_227 = tpu.memref_slice %arg6[%dma_start3A_213, %dma_start3A_225, %dma_start3A_226] : memref<4x128x128xf32, #tpu.memory_space<vmem>> -> memref<1x128x128xf32, #tpu.memory_space<vmem>>
      %dma_start3A_228 = tpu.memref_squeeze %dma_start3A_227 : memref<1x128x128xf32, #tpu.memory_space<vmem>> -> memref<128x128xf32, #tpu.memory_space<vmem>>
      tpu.enqueue_dma source(%dma_start3A_228 : memref<128x128xf32, #tpu.memory_space<vmem>>) target(%dma_start3A_224 : memref<128x128xf32, #tpu.memory_space<hbm>>) target_semaphore(%dma_start3A_222 : memref<!tpu.dma_semaphore, #tpu.memory_space<semaphore_mem>>)
      %mul3A_229 = arith.constant 4 : i32
      %mul3A_230 = arith.muli %scan3A_73, %mul3A_229 : i32
      %add3A_231 = arith.constant 3 : i32
      %add3A_232 = arith.addi %mul3A_230, %add3A_231 : i32
      %add3A_233 = arith.constant 2 : i32
      %add3A_234 = arith.addi %add3A_232, %add3A_233 : i32
      %sub3A_235 = arith.constant 4 : i32
      %sub3A_236 = arith.subi %add3A_234, %sub3A_235 : i32
      %ge3A_237 = arith.constant 0 : i32
      %ge3A_238 = arith.cmpi sge, %sub3A_236, %ge3A_237 : i32
      %convert_element_type3A_239 = arith.extui %ge3A_238 : i1 to i32
      %cond3A_240 = arith.constant 0 : i32
      %cond3A_241 = arith.cmpi ne, %convert_element_type3A_239, %cond3A_240 : i32
      scf.if %cond3A_241 {
        %mul3A_283 = arith.constant 4096 : i32
        %mul3A_284 = arith.muli %sub3A_236, %mul3A_283 : i32
        %add3A_285 = arith.addi %mul3A_284, %mul3A_2 : i32
        %dma_wait3A_286 = arith.constant 1 : i32
        %dma_wait3A_287 = arith.constant 1 : i32
        %dma_wait3A_288 = arith.constant 0 : i32
        %dma_wait3A_289 = arith.constant 0 : i32
        %dma_wait3A_290 = tpu.memref_slice %arg6[%dma_wait3A_286, %dma_wait3A_288, %dma_wait3A_289] : memref<4x128x128xf32, #tpu.memory_space<vmem>> -> memref<1x128x128xf32, #tpu.memory_space<vmem>>
        %dma_wait3A_291 = tpu.memref_squeeze %dma_wait3A_290 : memref<1x128x128xf32, #tpu.memory_space<vmem>> -> memref<128x128xf32, #tpu.memory_space<vmem>>
        %dma_wait3A_292 = arith.constant 0 : i32
        %dma_wait3A_293 = tpu.memref_slice %arg4[%add3A_285, %dma_wait3A_292] : memref<819200x128xf32, #tpu.memory_space<hbm>> -> memref<128x128xf32, #tpu.memory_space<hbm>>
        %dma_wait3A_294 = tpu.memref_slice %arg8[%dma_wait3A_287] : memref<4x!tpu.dma_semaphore, #tpu.memory_space<semaphore_mem>> -> memref<1x!tpu.dma_semaphore, #tpu.memory_space<semaphore_mem>>
        %dma_wait3A_295 = tpu.memref_squeeze %dma_wait3A_294 : memref<1x!tpu.dma_semaphore, #tpu.memory_space<semaphore_mem>> -> memref<!tpu.dma_semaphore, #tpu.memory_space<semaphore_mem>>
        %dma_wait3A_296 = arith.constant 0 : i32
        %dma_wait3A_297 = tpu.memref_slice %arg4[%add3A_285, %dma_wait3A_296] : memref<819200x128xf32, #tpu.memory_space<hbm>> -> memref<128x128xf32, #tpu.memory_space<hbm>>
        %dma_wait3A_298 = arith.constant 0 : i32
        %dma_wait3A_299 = arith.constant 0 : i32
        %dma_wait3A_300 = tpu.memref_slice %arg6[%dma_wait3A_286, %dma_wait3A_298, %dma_wait3A_299] : memref<4x128x128xf32, #tpu.memory_space<vmem>> -> memref<1x128x128xf32, #tpu.memory_space<vmem>>
        %dma_wait3A_301 = tpu.memref_squeeze %dma_wait3A_300 : memref<1x128x128xf32, #tpu.memory_space<vmem>> -> memref<128x128xf32, #tpu.memory_space<vmem>>
        tpu.wait_dma2 semaphore(%dma_wait3A_295 : memref<!tpu.dma_semaphore, #tpu.memory_space<semaphore_mem>>) src(%dma_wait3A_301 : memref<128x128xf32, #tpu.memory_space<vmem>>) dst(%dma_wait3A_297 : memref<128x128xf32, #tpu.memory_space<hbm>>)
      } else {
      }
      %add3A_242 = arith.constant 2 : i32
      %add3A_243 = arith.addi %add3A_232, %add3A_242 : i32
      %lt3A_244 = arith.constant 200 : i32
      %lt3A_245 = arith.cmpi slt, %add3A_243, %lt3A_244 : i32
      %convert_element_type3A_246 = arith.extui %lt3A_245 : i1 to i32
      %cond3A_247 = arith.constant 0 : i32
      %cond3A_248 = arith.cmpi ne, %convert_element_type3A_246, %cond3A_247 : i32
      scf.if %cond3A_248 {
        %add3A_283 = arith.constant 2 : i32
        %add3A_284 = arith.addi %add3A_232, %add3A_283 : i32
        %dma_start3A_285 = arith.constant 1 : i32
        %dma_start3A_286 = arith.constant 1 : i32
        %dma_start3A_287 = arith.constant 0 : i32
        %dma_start3A_288 = arith.constant 0 : i32
        %dma_start3A_289 = tpu.memref_slice %arg6[%dma_start3A_285, %dma_start3A_287, %dma_start3A_288] : memref<4x128x128xf32, #tpu.memory_space<vmem>> -> memref<1x128x128xf32, #tpu.memory_space<vmem>>
        %dma_start3A_290 = tpu.memref_squeeze %dma_start3A_289 : memref<1x128x128xf32, #tpu.memory_space<vmem>> -> memref<128x128xf32, #tpu.memory_space<vmem>>
        %dma_start3A_291 = arith.constant 0 : i32
        %dma_start3A_292 = tpu.memref_slice %arg5[%add3A_284, %dma_start3A_291] : memref<200x128xi32, #tpu.memory_space<vmem>> -> memref<1x128xi32, #tpu.memory_space<vmem>>
        %dma_start3A_293 = tpu.memref_squeeze %dma_start3A_292 : memref<1x128xi32, #tpu.memory_space<vmem>> -> memref<128xi32, #tpu.memory_space<vmem>>
        %dma_start3A_294 = arith.constant 0 : i32
        %dma_start3A_295 = arith.constant 0 : i32
        %dma_start3A_296 = tpu.memref_slice %arg3[%dma_start3A_294, %dma_start3A_295] : memref<1000000x128xf32, #tpu.memory_space<hbm>> -> memref<1000000x128xf32, #tpu.memory_space<hbm>>
        %dma_start3A_297 = tpu.memref_slice %arg7[%dma_start3A_286] : memref<4x!tpu.dma_semaphore, #tpu.memory_space<semaphore_mem>> -> memref<1x!tpu.dma_semaphore, #tpu.memory_space<semaphore_mem>>
        %dma_start3A_298 = tpu.memref_squeeze %dma_start3A_297 : memref<1x!tpu.dma_semaphore, #tpu.memory_space<semaphore_mem>> -> memref<!tpu.dma_semaphore, #tpu.memory_space<semaphore_mem>>
        tpu.enqueue_indirect_dma source(%dma_start3A_296 : memref<1000000x128xf32, #tpu.memory_space<hbm>>) target(%dma_start3A_290 : memref<128x128xf32, #tpu.memory_space<vmem>>) offsets(%dma_start3A_293 : memref<128xi32, #tpu.memory_space<vmem>>) semaphore(%dma_start3A_298 : memref<!tpu.dma_semaphore, #tpu.memory_space<semaphore_mem>>)
      } else {
      }
      %dma_wait3A_249 = arith.constant 3 : i32
      %dma_wait3A_250 = arith.constant 3 : i32
      %dma_wait3A_251 = arith.constant 0 : i32
      %dma_wait3A_252 = arith.constant 0 : i32
      %dma_wait3A_253 = tpu.memref_slice %arg6[%dma_wait3A_249, %dma_wait3A_251, %dma_wait3A_252] : memref<4x128x128xf32, #tpu.memory_space<vmem>> -> memref<1x128x128xf32, #tpu.memory_space<vmem>>
      %dma_wait3A_254 = tpu.memref_squeeze %dma_wait3A_253 : memref<1x128x128xf32, #tpu.memory_space<vmem>> -> memref<128x128xf32, #tpu.memory_space<vmem>>
      %dma_wait3A_255 = arith.constant 0 : i32
      %dma_wait3A_256 = tpu.memref_slice %arg5[%add3A_232, %dma_wait3A_255] : memref<200x128xi32, #tpu.memory_space<vmem>> -> memref<1x128xi32, #tpu.memory_space<vmem>>
      %dma_wait3A_257 = tpu.memref_squeeze %dma_wait3A_256 : memref<1x128xi32, #tpu.memory_space<vmem>> -> memref<128xi32, #tpu.memory_space<vmem>>
      %dma_wait3A_258 = arith.constant 0 : i32
      %dma_wait3A_259 = arith.constant 0 : i32
      %dma_wait3A_260 = tpu.memref_slice %arg3[%dma_wait3A_258, %dma_wait3A_259] : memref<1000000x128xf32, #tpu.memory_space<hbm>> -> memref<1000000x128xf32, #tpu.memory_space<hbm>>
      %dma_wait3A_261 = tpu.memref_slice %arg7[%dma_wait3A_250] : memref<4x!tpu.dma_semaphore, #tpu.memory_space<semaphore_mem>> -> memref<1x!tpu.dma_semaphore, #tpu.memory_space<semaphore_mem>>
      %dma_wait3A_262 = tpu.memref_squeeze %dma_wait3A_261 : memref<1x!tpu.dma_semaphore, #tpu.memory_space<semaphore_mem>> -> memref<!tpu.dma_semaphore, #tpu.memory_space<semaphore_mem>>
      tpu.wait_indirect_dma semaphore(%dma_wait3A_262 : memref<!tpu.dma_semaphore, #tpu.memory_space<semaphore_mem>>) src(%dma_wait3A_260 : memref<1000000x128xf32, #tpu.memory_space<hbm>>) dst(%dma_wait3A_254 : memref<128x128xf32, #tpu.memory_space<vmem>>)
      %mul3A_263 = arith.constant 4096 : i32
      %mul3A_264 = arith.muli %add3A_232, %mul3A_263 : i32
      %add3A_265 = arith.addi %mul3A_264, %mul3A_2 : i32
      %dma_start3A_266 = arith.constant 3 : i32
      %dma_start3A_267 = arith.constant 3 : i32
      %dma_start3A_268 = arith.constant 0 : i32
      %dma_start3A_269 = arith.constant 0 : i32
      %dma_start3A_270 = tpu.memref_slice %arg6[%dma_start3A_266, %dma_start3A_268, %dma_start3A_269] : memref<4x128x128xf32, #tpu.memory_space<vmem>> -> memref<1x128x128xf32, #tpu.memory_space<vmem>>
      %dma_start3A_271 = tpu.memref_squeeze %dma_start3A_270 : memref<1x128x128xf32, #tpu.memory_space<vmem>> -> memref<128x128xf32, #tpu.memory_space<vmem>>
      %dma_start3A_272 = arith.constant 0 : i32
      %dma_start3A_273 = tpu.memref_slice %arg4[%add3A_265, %dma_start3A_272] : memref<819200x128xf32, #tpu.memory_space<hbm>> -> memref<128x128xf32, #tpu.memory_space<hbm>>
      %dma_start3A_274 = tpu.memref_slice %arg8[%dma_start3A_267] : memref<4x!tpu.dma_semaphore, #tpu.memory_space<semaphore_mem>> -> memref<1x!tpu.dma_semaphore, #tpu.memory_space<semaphore_mem>>
      %dma_start3A_275 = tpu.memref_squeeze %dma_start3A_274 : memref<1x!tpu.dma_semaphore, #tpu.memory_space<semaphore_mem>> -> memref<!tpu.dma_semaphore, #tpu.memory_space<semaphore_mem>>
      %dma_start3A_276 = arith.constant 0 : i32
      %dma_start3A_277 = tpu.memref_slice %arg4[%add3A_265, %dma_start3A_276] : memref<819200x128xf32, #tpu.memory_space<hbm>> -> memref<128x128xf32, #tpu.memory_space<hbm>>
      %dma_start3A_278 = arith.constant 0 : i32
      %dma_start3A_279 = arith.constant 0 : i32
      %dma_start3A_280 = tpu.memref_slice %arg6[%dma_start3A_266, %dma_start3A_278, %dma_start3A_279] : memref<4x128x128xf32, #tpu.memory_space<vmem>> -> memref<1x128x128xf32, #tpu.memory_space<vmem>>
      %dma_start3A_281 = tpu.memref_squeeze %dma_start3A_280 : memref<1x128x128xf32, #tpu.memory_space<vmem>> -> memref<128x128xf32, #tpu.memory_space<vmem>>
      tpu.enqueue_dma source(%dma_start3A_281 : memref<128x128xf32, #tpu.memory_space<vmem>>) target(%dma_start3A_277 : memref<128x128xf32, #tpu.memory_space<hbm>>) target_semaphore(%dma_start3A_275 : memref<!tpu.dma_semaphore, #tpu.memory_space<semaphore_mem>>)
      %scan3A_282 = arith.constant 0 : i32
      scf.yield %scan3A_282 : i32
    }
    %scan3A_37 = arith.constant 50 : i32
    %add3A_38 = arith.constant 811008 : i32
    %add3A_39 = arith.addi %add3A_38, %mul3A_2 : i32
    %dma_wait3A = arith.constant 2 : i32
    %dma_wait3A_40 = arith.constant 2 : i32
    %dma_wait3A_41 = arith.constant 0 : i32
    %dma_wait3A_42 = arith.constant 0 : i32
    %dma_wait3A_43 = tpu.memref_slice %arg6[%dma_wait3A, %dma_wait3A_41, %dma_wait3A_42] : memref<4x128x128xf32, #tpu.memory_space<vmem>> -> memref<1x128x128xf32, #tpu.memory_space<vmem>>
    %dma_wait3A_44 = tpu.memref_squeeze %dma_wait3A_43 : memref<1x128x128xf32, #tpu.memory_space<vmem>> -> memref<128x128xf32, #tpu.memory_space<vmem>>
    %dma_wait3A_45 = arith.constant 0 : i32
    %dma_wait3A_46 = tpu.memref_slice %arg4[%add3A_39, %dma_wait3A_45] : memref<819200x128xf32, #tpu.memory_space<hbm>> -> memref<128x128xf32, #tpu.memory_space<hbm>>
    %dma_wait3A_47 = tpu.memref_slice %arg8[%dma_wait3A_40] : memref<4x!tpu.dma_semaphore, #tpu.memory_space<semaphore_mem>> -> memref<1x!tpu.dma_semaphore, #tpu.memory_space<semaphore_mem>>
    %dma_wait3A_48 = tpu.memref_squeeze %dma_wait3A_47 : memref<1x!tpu.dma_semaphore, #tpu.memory_space<semaphore_mem>> -> memref<!tpu.dma_semaphore, #tpu.memory_space<semaphore_mem>>
    %dma_wait3A_49 = arith.constant 0 : i32
    %dma_wait3A_50 = tpu.memref_slice %arg4[%add3A_39, %dma_wait3A_49] : memref<819200x128xf32, #tpu.memory_space<hbm>> -> memref<128x128xf32, #tpu.memory_space<hbm>>
    %dma_wait3A_51 = arith.constant 0 : i32
    %dma_wait3A_52 = arith.constant 0 : i32
    %dma_wait3A_53 = tpu.memref_slice %arg6[%dma_wait3A, %dma_wait3A_51, %dma_wait3A_52] : memref<4x128x128xf32, #tpu.memory_space<vmem>> -> memref<1x128x128xf32, #tpu.memory_space<vmem>>
    %dma_wait3A_54 = tpu.memref_squeeze %dma_wait3A_53 : memref<1x128x128xf32, #tpu.memory_space<vmem>> -> memref<128x128xf32, #tpu.memory_space<vmem>>
    tpu.wait_dma2 semaphore(%dma_wait3A_48 : memref<!tpu.dma_semaphore, #tpu.memory_space<semaphore_mem>>) src(%dma_wait3A_54 : memref<128x128xf32, #tpu.memory_space<vmem>>) dst(%dma_wait3A_50 : memref<128x128xf32, #tpu.memory_space<hbm>>)
    %add3A_55 = arith.constant 815104 : i32
    %add3A_56 = arith.addi %add3A_55, %mul3A_2 : i32
    %dma_wait3A_57 = arith.constant 3 : i32
    %dma_wait3A_58 = arith.constant 3 : i32
    %dma_wait3A_59 = arith.constant 0 : i32
    %dma_wait3A_60 = arith.constant 0 : i32
    %dma_wait3A_61 = tpu.memref_slice %arg6[%dma_wait3A_57, %dma_wait3A_59, %dma_wait3A_60] : memref<4x128x128xf32, #tpu.memory_space<vmem>> -> memref<1x128x128xf32, #tpu.memory_space<vmem>>
    %dma_wait3A_62 = tpu.memref_squeeze %dma_wait3A_61 : memref<1x128x128xf32, #tpu.memory_space<vmem>> -> memref<128x128xf32, #tpu.memory_space<vmem>>
    %dma_wait3A_63 = arith.constant 0 : i32
    %dma_wait3A_64 = tpu.memref_slice %arg4[%add3A_56, %dma_wait3A_63] : memref<819200x128xf32, #tpu.memory_space<hbm>> -> memref<128x128xf32, #tpu.memory_space<hbm>>
    %dma_wait3A_65 = tpu.memref_slice %arg8[%dma_wait3A_58] : memref<4x!tpu.dma_semaphore, #tpu.memory_space<semaphore_mem>> -> memref<1x!tpu.dma_semaphore, #tpu.memory_space<semaphore_mem>>
    %dma_wait3A_66 = tpu.memref_squeeze %dma_wait3A_65 : memref<1x!tpu.dma_semaphore, #tpu.memory_space<semaphore_mem>> -> memref<!tpu.dma_semaphore, #tpu.memory_space<semaphore_mem>>
    %dma_wait3A_67 = arith.constant 0 : i32
    %dma_wait3A_68 = tpu.memref_slice %arg4[%add3A_56, %dma_wait3A_67] : memref<819200x128xf32, #tpu.memory_space<hbm>> -> memref<128x128xf32, #tpu.memory_space<hbm>>
    %dma_wait3A_69 = arith.constant 0 : i32
    %dma_wait3A_70 = arith.constant 0 : i32
    %dma_wait3A_71 = tpu.memref_slice %arg6[%dma_wait3A_57, %dma_wait3A_69, %dma_wait3A_70] : memref<4x128x128xf32, #tpu.memory_space<vmem>> -> memref<1x128x128xf32, #tpu.memory_space<vmem>>
    %dma_wait3A_72 = tpu.memref_squeeze %dma_wait3A_71 : memref<1x128x128xf32, #tpu.memory_space<vmem>> -> memref<128x128xf32, #tpu.memory_space<vmem>>
    tpu.wait_dma2 semaphore(%dma_wait3A_66 : memref<!tpu.dma_semaphore, #tpu.memory_space<semaphore_mem>>) src(%dma_wait3A_72 : memref<128x128xf32, #tpu.memory_space<vmem>>) dst(%dma_wait3A_68 : memref<128x128xf32, #tpu.memory_space<hbm>>)
    return
  }
}

</mosaic_0001>

<sc_bundles>
// kernel: kernel.3.cloned.1.call-start
scs
__scs_entry_jumppad:
0x0: {  	(pc) =	sbr.rel $0x88, $3  }
0x1: {  	(tag) =	ssettag $0x0;
	lr =	simm.s32 $0x1  }
0x2: {  	[smem:$0x3F9F] =	sst lr;
	_ =	strace $0xD0000000  }
0x3: {  	_ = 	snop  }
0x4: {  	_ = 	snop  }
0x5: {  	_ = 	snop  }
0x6: {  	_ = 	snop  }
0x7: {  	_ = 	snop  }
__scs_overlays_trampoline_lowered:
0x8: {  	[smem:$0x3FAE] =	sst s0  }
0x9: {  	[smem:$0x3FAF] =	sst s1  }
0xa: {  	[smem:$0x3FB0] =	sst s2  }
0xb: {  	[smem:$0x3FB1] =	sst s3  }
0xc: {  	[smem:$0x3FB2] =	sst s4  }
0xd: {  	[smem:$0x3FB3] =	sst s5  }
0xe: {  	[smem:$0x3FB4] =	sst s6  }
0xf: {  	[smem:$0x3FB5] =	sst s7  }
0x10: {  	[smem:$0x3FB6] =	sst s8  }
0x11: {  	[smem:$0x3FB7] =	sst s9;
	s0 =	simm.s32 @!p0 $0x0  }
0x12: {  	s1 =	sld [smem:$0x3F9D];
	s0 =	simm.s32 @p0 $0x1  }
0x13: {  	[smem:$0x3FB8] =	sst s0;
	s0 =	simm.s32 @!p1 $0x0  }
0x14: {  	s2 =	sld [smem:$0x3F9C];
	s0 =	simm.s32 @p1 $0x1  }
0x15: {  	[smem:$0x3FB9] =	sst s0;
	s0 =	simm.s32 @!p2 $0x0  }
0x16: {  	s3 =	sld [smem:$0x3FDB];
	s0 =	simm.s32 @p2 $0x1  }
0x17: {  	s4 =	simm.s32 $0x1BF5;
	[smem:$0x3FBB] =	sst s0  }
0x18: {  	s0 =	sld [smem:$0x3F9E];
	_ =	swait.ge [sflag:s4], $0x0  }
0x19: {  	s7 =	sld [smem:$0x3F9F]  }
0x1a: {  	s8 =	sadd.s32 $0xFFFFE003, lr  }
0x1b: {  	s9 =	sadd.s32 $0xFFFFFEF7, lr;
	s5 =	simm.s32 $0xFFFFFFFF;
	p2 =	slt.u32 s8, $0xFFFFF086  }
0x1c: {  	p1 =	slt.u32 s9, $0xF7A;
	s5 =	simm.s32 @!p2 $0x0  }
0x1d: {  	s5 =	simm.s32 @p1 $0x1;
	p0 =	seq.s32 s7, s2  }
0x1e: {  	s7 =	smul.u32 @!p0 $0xF7A, s2;
	p2 =	seq.s32 @!p0 s5, $0x0  }
0x1f: {  	s9 =	smul.u32 $0xF7A, s1;
	s8 =	simm.s32 @!p0 $0x1BF5;
	p2 =	por !p2, p0  }
0x20: {  	[sflag:s8] =	ssyncset.s32 @!p0 $0xFFFFF086;
	s6 =	sadd.s32 @!p0 s3, s7;
	s7 =	simm.s32 @!p0 $0x108  }
0x21: {  	s3 =	sadd.s32 s3, s9;
	s6 =	sadd.s32 @!p0 $0x88, s6;
	s7 =	simm.s32 @p2 $0x1082  }
0x22: {  	[simem:s7], [sflag:s8] =	dma.local @!p0 [hbm:s6], $0xF7A  }
0x23: {  	s9 =	sor.u32 $0xD0000000, s2;
	s6 =	simm.s32 $0x108;
	_ =	swait.ge @!p0 [sflag:s8], $0x0  }
0x24: {  	s3 =	sadd.s32 $0x88, s3;
	s6 =	simm.s32 @!p1 $0x1082;
	[sflag:s4] =	ssyncset.s32 $0xFFFFF086  }
0x25: {  	[simem:s6], [sflag:s4] =	dma.local [hbm:s3], $0xF7A  }
0x26: {  	[smem:$0x3F9F] =	sst s1;
	(tag) =	ssettag s2;
	_ =	strace s9  }
0x27: {  	s1 =	sld [smem:$0x3FAF]  }
0x28: {  	s2 =	sld [smem:$0x3FB0]  }
0x29: {  	s4 =	sld [smem:$0x3FB2]  }
0x2a: {  	p0 =	seq.s32 s5, $0x0;
	s5 =	sld [smem:$0x3FB3]  }
0x2b: {  	s6 =	sld [smem:$0x3FB4]  }
0x2c: {  	s7 =	sld [smem:$0x3FB5]  }
0x2d: {  	s3 =	simm.s32 $0x108;
	s8 =	sld [smem:$0x3FB6]  }
0x2e: {  	s3 =	simm.s32 @!p0 $0x1082;
	s9 =	sld [smem:$0x3FB7]  }
0x2f: {  	lr =	sadd.s32 s0, s3;
	s0 =	sld [smem:$0x3FAE]  }
0x30: {  	s3 =	sld [smem:$0x3FB1]  }
0x31: {  	[smem:$0x3FBA] =	sst s10  }
0x32: {  	s10 =	sld [smem:$0x3FB8];
	_ =	sdelay $0x3  }
0x33: {  	p0 =	seq.s32 s10, $0x1;
	s10 =	sld [smem:$0x3FBA];
	_ =	sdelay $0x3  }
0x34: {  	[smem:$0x3FBA] =	sst s10  }
0x35: {  	s10 =	sld [smem:$0x3FB9];
	_ =	sdelay $0x3  }
0x36: {  	p1 =	seq.s32 s10, $0x1;
	s10 =	sld [smem:$0x3FBA];
	_ =	sdelay $0x3  }
0x37: {  	[smem:$0x3FBA] =	sst s10  }
0x38: {  	s10 =	sld [smem:$0x3FBB]  }
0x39: {  	_ = 	snop;
	(pc) =	sbr.ind lr, $3  }
0x3a: {  	_ = 	snop  }
0x3b: {  	_ = 	snop  }
0x3c: {  	p2 =	seq.s32 s10, $0x1;
	s10 =	sld [smem:$0x3FBA]  }
0x3d: {  	_ =	shalt  }
0x3e: {  	_ =	shalt  }
0x3f: {  	_ =	shalt  }
0x40: {  	_ =	shalt  }
0x41: {  	_ =	shalt  }
0x42: {  	_ =	shalt  }
0x43: {  	_ =	shalt  }
0x44: {  	_ =	shalt  }
0x45: {  	_ =	shalt  }
0x46: {  	_ =	shalt  }
0x47: {  	_ =	shalt  }
0x48: {  	_ =	shalt  }
0x49: {  	_ =	shalt  }
0x4a: {  	_ =	shalt  }
0x4b: {  	_ =	shalt  }
0x4c: {  	_ =	shalt  }
0x4d: {  	_ =	shalt  }
0x4e: {  	_ =	shalt  }
0x4f: {  	_ =	shalt  }
0x50: {  	_ =	shalt  }
0x51: {  	_ =	shalt  }
0x52: {  	_ =	shalt  }
0x53: {  	_ =	shalt  }
0x54: {  	_ =	shalt  }
0x55: {  	_ =	shalt  }
0x56: {  	_ =	shalt  }
0x57: {  	_ =	shalt  }
0x58: {  	_ =	shalt  }
0x59: {  	_ =	shalt  }
0x5a: {  	_ =	shalt  }
0x5b: {  	_ =	shalt  }
0x5c: {  	_ =	shalt  }
0x5d: {  	_ =	shalt  }
0x5e: {  	_ =	shalt  }
0x5f: {  	_ =	shalt  }
0x60: {  	_ =	shalt  }
0x61: {  	_ =	shalt  }
0x62: {  	_ =	shalt  }
0x63: {  	_ =	shalt  }
0x64: {  	_ =	shalt  }
0x65: {  	_ =	shalt  }
0x66: {  	_ =	shalt  }
0x67: {  	_ =	shalt  }
0x68: {  	_ =	shalt  }
0x69: {  	_ =	shalt  }
0x6a: {  	_ =	shalt  }
0x6b: {  	_ =	shalt  }
0x6c: {  	_ =	shalt  }
0x6d: {  	_ =	shalt  }
0x6e: {  	_ =	shalt  }
0x6f: {  	_ =	shalt  }
0x70: {  	_ =	shalt  }
0x71: {  	_ =	shalt  }
0x72: {  	_ =	shalt  }
0x73: {  	_ =	shalt  }
0x74: {  	_ =	shalt  }
0x75: {  	_ =	shalt  }
0x76: {  	_ =	shalt  }
0x77: {  	_ =	shalt  }
0x78: {  	_ =	shalt  }
0x79: {  	_ =	shalt  }
0x7a: {  	_ =	shalt  }
0x7b: {  	_ =	shalt  }
0x7c: {  	_ =	shalt  }
0x7d: {  	_ =	shalt  }
0x7e: {  	_ =	shalt  }
0x7f: {  	_ =	shalt  }
0x80: {  	_ =	shalt  }
0x81: {  	_ =	shalt  }
0x82: {  	_ =	shalt  }
0x83: {  	_ =	shalt  }
0x84: {  	_ =	shalt  }
0x85: {  	_ =	shalt  }
0x86: {  	_ =	shalt  }
0x87: {  	_ =	shalt  }
.Lfunc_end0:
.L_simem_size_0:
called_computation.1_lowered:
.L_overlay_start_0:
0x88: {  	s2 =	sld [smem:$0x3FD9]  }
0x89: {  	s3 =	sld [smem:$0x3FFE];
	_ =	sdelay $0x1  }
0x8a: {  	s1 =	srdreg.scid  }
0x8b: {  	s0 =	sand.u32 $0x1, s1  }
0x8c: {  	s17 =	sshll.u32 s0, $0xA;
	s2 =	sadd.s32 s3, s2  }
0x8d: {  	s2 =	sadd.s32 s2, s17  }
0x8e: {  	[smem:$0x3FC6] =	sst s2  }
0x8f: {  	_ = 	snop  }
0x90: {  	s2 =	sld [smem:$0x3FC9];
	(tm) =	ssettm $0x1  }
0x91: {  	s18 =	sld [smem:$0x3FFB];
	_ =	sdelay $0x3  }
0x92: {  	_ =	strace s18  }
0x93: {  	s3 =	sld [smem:$0x3FFC];
	_ =	sdelay $0x3  }
0x94: {  	_ =	strace s3  }
0x95: {  	s3 =	sld [smem:$0x3FFD];
	_ =	sdelay $0x3  }
0x96: {  	_ =	strace s3  }
0x97: {  	_ =	strace $0x8FFFFFFF  }
0x98: {  	s19 =	sld [smem:$0x3FDB];
	_ =	sdelay $0x1  }
0x99: {  	s4 =	simm.s32 $_scs_section_size  }
0x9a: {  	s5 =	simm.s32 $_size__tile_overlayer_lowered;
	s6 =	simm.s32 $_tile_overlayer_lowered  }
0x9b: {  	s22 =	simm.s32 $0x1BFF;
	s21 =	sshll.u32 s6, $0x1;
	s3 =	sadd.s32 s4, s19  }
0x9c: {  	s7 =	simm.s32 $0x0;
	s20 =	sshll.u32 s5, $0x1;
	s5 =	sadd.s32 s21, s3  }
0x9d: {  	[timem:s7], [sflag:s22] =	dma.local [hbm:s5], s20  }
0x9e: {  	_ =	swait.ge [sflag:s22], s20  }
0x9f: {  	s4 =	ssub.s32 $0x0, s20;
	[sflag:s22] =	ssyncset.done $0x0  }
0xa0: {  	[sflag:s22] =	ssyncadd.s32 s4;
	_ =	sdelay $0x1  }
0xa1: {  	s23 =	simm.s32 $0x1B8B  }
0xa2: {  	_ =	swait.ge [sflag:s23], $0x1  }
0xa3: {  	[sflag:s23] =	ssyncset.done $0x0  }
0xa4: {  	s25 =	simm.s32 $0x1B8E;
	s24 =	sld [smem:$0x3FFE];
	[sflag:s23] =	ssyncadd.s32 $0xFFFFFFFF  }
0xa5: {  	s26 =	simm.s32 $execute0_lowered;
	[smem:$0x3FD2] =	sst s25  }
0xa6: {  	s5 =	sshll.u32 s26, $0x1;
	_ =	strace $0x80000046;
	[dreg:$0x1] =	wrdreg $0xFFFFFFFF  }
0xa7: {  	s28 =	simm.s32 $_size_execute0_lowered;
	s3 =	sadd.s32 s3, s5;
	[dreg:$0x0] =	wrdreg $0x0  }
0xa8: {  	s5 =	sshll.u32 s28, $0x1;
	[dreg:$0x2] =	wrdreg s3  }
0xa9: {  	[dreg:$0x3] =	wrdreg s5  }
0xaa: {  	[dreg:$0x4] =	wrdreg $0xC0  }
0xab: {  	_ =	task [dreg:s7], $0x5FFFF  }
0xac: {  	[dreg:$0x1] =	wrdreg $0xFFFFFFFF  }
0xad: {  	[dreg:$0x0] =	wrdreg $0x60  }
0xae: {  	[dreg:$0x2] =	wrdreg s2  }
0xaf: {  	[dreg:$0x3] =	wrdreg s24  }
0xb0: {  	[dreg:$0x4] =	wrdreg $0x9  }
0xb1: {  	_ =	task.clear_ibuf [dreg:s7], $0x5FFFF;
	_ =	strace $0x90000046  }
0xb2: {  	s29 =	simm.s32 $0x9;
	_ =	strace $0x80000048  }
0xb3: {  	_ =	swait.ge [sflag:s29], $0x1  }
0xb4: {  	[sflag:s29] =	ssyncadd.s32 $0xFFFFFFFF  }
0xb5: {  	_ =	strace $0x90000048  }
0xb6: {  	_ =	sfence  }
0xb7: {  	s30 =	sld [smem:$0x0];
	_ =	sdelay $0x2  }
0xb8: {  	s31 =	sshll.u32 s1, $0xD;
	s1 =	sshrl.u32 s1, $0x2  }
0xb9: {  	s3 =	sand.u32 $0x4000, s31;
	s1 =	sadd.s32 s1, s30  }
0xba: {  	s0 =	sor.u32 s3, s0;
	s1 =	sshll.u32 s1, $0x11  }
0xbb: {  	s0 =	sor.u32 s1, s0  }
0xbc: {  	s0 =	sadd.s32 $0x8F2B, s0  }
0xbd: {  	[sflag:s0] =	ssyncadd.remote.s32 $0x1  }
0xbe: {  	_ =	sfence.sel $0xFFFF  }
0xbf: {  	[dreg:$0x0] =	wrdreg $0xFFFFFFFF;
	(pc) =	sbr.abs _section_cstart, $3  }
0xc0: {  	[dreg:$0x1] =	wrdreg $0xFFFFFFFF  }
0xc1: {  	_ =	task.clear_ibuf [dreg:s7], $0x2FFFF;
	_ =	strace $0x9FFFFFFF  }
0xc2: {  	(tm) =	ssettm $0x7FFFFFFF  }
0xc3: {  	_ =	shalt  }
tec
execute0_lowered:
.L_overlay_start_1:
0x0: {  	(tag) =	ssettag $0x1  }
0x1: {  	s0 =	rddreg [dreg:$0x0]  }
0x2: {  	s2 =	rddreg [dreg:$0x1]  }
0x3: {  	s1 =	simm.s32 $0x0;
	s4 =	srdreg.scid;
	s11 =	stileid.u32  }
0x4: {  	s17 =	simm.s32 $0x9;
	s18 =	simm.s32 $0x80;
	s19 =	simm.s32 $0x6400  }
0x5: {  	s20 =	simm.s32 $0xA400;
	s22 =	simm.s32 $0xE400;
	s28 =	simm.s32 $0x5  }
0x6: {  	s30 =	simm.s32 $0x3;
	s31 =	simm.s32 $0x6;
	s15 =	simm.s32 $0x7  }
0x7: {  	s16 =	simm.s32 $0x8;
	s29 =	simm.s32 $0x0;
	[smem:$0x7FF] =	sst s1  }
0x8: {  	s3 =	sadd.s32 $0xF42C00, s2;
	s12 =	sand.u32 $0x1, s4;
	s5 =	sshll.u32 s11, $0x8  }
0x9: {  	s13 =	sadd.s32 $0x800, s2;
	s2 =	sadd.s32 $0x10800, s2;
	s14 =	sshll.u32 s11, $0xC  }
0xa: {  	_ =	strace $0x80000047;
	s4 =	ssub.s32 $0x2, s12;
	s6 =	sshll.u32 s12, $0x7  }
0xb: {  	s25 =	sadd.s32 s14, s13;
	s26 =	sshll.u32 s12, $0xB;
	s5 =	sor.u32 s6, s5  }
0xc: {  	s7 =	sshrl.u32 s4, $0x1;
	s0 =	sadd.s32 s0, s5;
	s24 =	sshll.u32 s5, $0x4  }
0xd: {  	s23 =	ssub.s32 s4, s7;
	[dreg:$0x3] =	wrdreg s0;
	s5 =	sadd.s32 s13, s24  }
0xe: {  	s6 =	smax.u32 s23, $0x1;
	s7 =	sadd.s32 s24, s2;
	s0 =	sor.u32 $0xC40000, s24  }
0xf: {  	s23 =	simm.s32 $0x1;
	s8 =	sadd.s32 $0x20000, s5;
	s9 =	sadd.s32 $0x30000, s5  }
0x10: {  	s10 =	sadd.s32 s13, s0;
	s11 =	sadd.s32 s0, s2;
	s12 =	sadd.s32 $0xC60000, s5  }
0x11: {  	s13 =	sadd.s32 $0xC70000, s5;
	s0 =	sadd.s32 s26, s25;
	s25 =	simm.s32 $0x12400  }
0x12: {  	s26 =	simm.s32 $0x2;
	s2 =	simm.s32 $0x4;
	s14 =	sadd.s32 $0x40000, s0  }
.LBB2_1:
0x13: {  	s0 =	rddreg [dreg:$0x3];
	s4 =	simm.s32 $0x400;
	s21 =	simm.s32 $0x8000  }
0x14: {  	[tilespmem:s1], [sflag:$0x9] =	stream.strided.gather [hbm4b:s0+s4], $0x6400, s21, s4, $0x38;
	[tilespmem:$0x16400] =	vst v63  }
0x15: {  	_ =	swait.ge [sflag:s17], $0x6400  }
0x16: {  	[sflag:s17] =	ssyncset.done $0x0  }
0x17: {  	[sflag:s17] =	ssyncadd.s32 $0xFFFF9C00  }
0x18: {  	[tilespmem:s19], [sflag:$0x1] =	stream.indirect.gather [hbm4b:s3+s18], $0x80, s1, s18, $0xb8;
	[tilespmem:$0x16400] =	vst v63  }
0x19: {  	_ = 	snop  }
0x1a: {  	[tilespmem:s20], [sflag:$0x2] =	stream.indirect.gather [hbm4b:s3+s18], $0x80, s18, s18, $0xb8;
	[tilespmem:$0x16400] =	vst v63  }
0x1b: {  	s24 =	simm.s32 $0x100  }
0x1c: {  	[tilespmem:s22], [sflag:$0x3] =	stream.indirect.gather [hbm4b:s3+s18], $0x80, s24, s18, $0xb8;
	[tilespmem:$0x16400] =	vst v63  }
0x1d: {  	_ =	swait.ge [sflag:s23], $0x4000  }
0x1e: {  	[sflag:s23] =	ssyncset.done $0x0  }
0x1f: {  	[sflag:s23] =	ssyncadd.s32 $0xFFFFC000  }
0x20: {  	[hbm4b:s5+s1] =	stream.linear.scatter [tilespmem:s19], [sflag:$0x5], $0x4000, $0x38;
	[tilespmem:$0x16400] =	vst v63  }
0x21: {  	s4 =	simm.s32 $0x180  }
0x22: {  	[tilespmem:s25], [sflag:$0x4] =	stream.indirect.gather [hbm4b:s3+s18], $0x80, s4, s18, $0xb8;
	[tilespmem:$0x16400] =	vst v63  }
0x23: {  	_ =	swait.ge [sflag:s26], $0x4000  }
0x24: {  	[sflag:s26] =	ssyncset.done $0x0  }
0x25: {  	[sflag:s26] =	ssyncadd.s32 $0xFFFFC000  }
0x26: {  	[hbm4b:s7+s1] =	stream.linear.scatter [tilespmem:s20], [sflag:$0x6], $0x4000, $0x38;
	[tilespmem:$0x16400] =	vst v63  }
0x27: {  	_ =	swait.ge [sflag:s28], $0x4000  }
0x28: {  	[sflag:s28] =	ssyncset.done $0x0  }
0x29: {  	s21 =	simm.s32 $0x200;
	[sflag:s28] =	ssyncadd.s32 $0xFFFFC000  }
0x2a: {  	[tilespmem:s19], [sflag:$0x1] =	stream.indirect.gather [hbm4b:s3+s18], $0x80, s21, s18, $0xb8;
	[tilespmem:$0x16400] =	vst v63  }
0x2b: {  	_ =	swait.ge [sflag:s30], $0x4000  }
0x2c: {  	[sflag:s30] =	ssyncset.done $0x0  }
0x2d: {  	[sflag:s30] =	ssyncadd.s32 $0xFFFFC000  }
0x2e: {  	[hbm4b:s8+s1] =	stream.linear.scatter [tilespmem:s22], [sflag:$0x7], $0x4000, $0x38;
	[tilespmem:$0x16400] =	vst v63  }
0x2f: {  	_ =	swait.ge [sflag:s31], $0x4000  }
0x30: {  	[sflag:s31] =	ssyncset.done $0x0  }
0x31: {  	s24 =	simm.s32 $0x280;
	[sflag:s31] =	ssyncadd.s32 $0xFFFFC000  }
0x32: {  	[tilespmem:s20], [sflag:$0x2] =	stream.indirect.gather [hbm4b:s3+s18], $0x80, s24, s18, $0xb8;
	[tilespmem:$0x16400] =	vst v63  }
0x33: {  	_ =	swait.ge [sflag:s2], $0x4000  }
0x34: {  	[sflag:s2] =	ssyncset.done $0x0  }
0x35: {  	[sflag:s2] =	ssyncadd.s32 $0xFFFFC000  }
0x36: {  	[hbm4b:s9+s1] =	stream.linear.scatter [tilespmem:s25], [sflag:$0x8], $0x4000, $0x38;
	[tilespmem:$0x16400] =	vst v63  }
0x37: {  	_ =	swait.ge [sflag:s15], $0x4000  }
0x38: {  	[sflag:s15] =	ssyncset.done $0x0  }
0x39: {  	s4 =	simm.s32 $0x300;
	[sflag:s15] =	ssyncadd.s32 $0xFFFFC000  }
0x3a: {  	[tilespmem:s22], [sflag:$0x3] =	stream.indirect.gather [hbm4b:s3+s18], $0x80, s4, s18, $0xb8;
	[tilespmem:$0x16400] =	vst v63  }
0x3b: {  	_ =	swait.ge [sflag:s23], $0x4000  }
0x3c: {  	[sflag:s23] =	ssyncset.done $0x0  }
0x3d: {  	[sflag:s23] =	ssyncadd.s32 $0xFFFFC000  }
0x3e: {  	[hbm4b:s14+s1] =	stream.linear.scatter [tilespmem:s19], [sflag:$0x5], $0x4000, $0x38;
	[tilespmem:$0x16400] =	vst v63  }
0x3f: {  	_ =	swait.ge [sflag:s16], $0x4000  }
0x40: {  	[sflag:s16] =	ssyncset.done $0x0  }
0x41: {  	s21 =	simm.s32 $0x380;
	[sflag:s16] =	ssyncadd.s32 $0xFFFFC000  }
0x42: {  	[tilespmem:s25], [sflag:$0x4] =	stream.indirect.gather [hbm4b:s3+s18], $0x80, s21, s18, $0xb8;
	[tilespmem:$0x16400] =	vst v63  }
0x43: {  	_ =	swait.ge [sflag:s26], $0x4000  }
0x44: {  	[sflag:s26] =	ssyncset.done $0x0  }
0x45: {  	s24 =	sadd.s32 $0x10000, s14;
	[sflag:s26] =	ssyncadd.s32 $0xFFFFC000  }
0x46: {  	[hbm4b:s24+s1] =	stream.linear.scatter [tilespmem:s20], [sflag:$0x6], $0x4000, $0x38;
	[tilespmem:$0x16400] =	vst v63  }
0x47: {  	_ =	swait.ge [sflag:s28], $0x4000  }
0x48: {  	[sflag:s28] =	ssyncset.done $0x0  }
0x49: {  	s4 =	simm.s32 $0x400;
	[sflag:s28] =	ssyncadd.s32 $0xFFFFC000  }
0x4a: {  	[tilespmem:s19], [sflag:$0x1] =	stream.indirect.gather [hbm4b:s3+s18], $0x80, s4, s18, $0xb8;
	[tilespmem:$0x16400] =	vst v63  }
0x4b: {  	_ =	swait.ge [sflag:s30], $0x4000  }
0x4c: {  	[sflag:s30] =	ssyncset.done $0x0  }
0x4d: {  	s21 =	sadd.s32 $0x20000, s14;
	[sflag:s30] =	ssyncadd.s32 $0xFFFFC000  }
0x4e: {  	[hbm4b:s21+s1] =	stream.linear.scatter [tilespmem:s22], [sflag:$0x7], $0x4000, $0x38;
	[tilespmem:$0x16400] =	vst v63  }
0x4f: {  	_ =	swait.ge [sflag:s31], $0x4000  }
0x50: {  	[sflag:s31] =	ssyncset.done $0x0  }
0x51: {  	s24 =	simm.s32 $0x480;
	[sflag:s31] =	ssyncadd.s32 $0xFFFFC000  }
0x52: {  	[tilespmem:s20], [sflag:$0x2] =	stream.indirect.gather [hbm4b:s3+s18], $0x80, s24, s18, $0xb8;
	[tilespmem:$0x16400] =	vst v63  }
0x53: {  	_ =	swait.ge [sflag:s2], $0x4000  }
0x54: {  	s0 =	simm.s32 $0x800;
	[sflag:s2] =	ssyncset.done $0x0  }
0x55: {  	s21 =	sadd.s32 $0x40000, s14;
	s24 =	sadd.s32 $0x30000, s14;
	[sflag:s2] =	ssyncadd.s32 $0xFFFFC000  }
.LBB2_2:
0x56: {  	[hbm4b:s24+s1] =	stream.linear.scatter [tilespmem:s25], [sflag:$0x8], $0x4000, $0x38;
	[tilespmem:$0x16400] =	vst v63  }
0x57: {  	s24 =	smov.u32 s0  }
0x58: {  	p0 =	sne.s32 s0, $0x17800;
	s0 =	sadd.s32 $0x800, s0;
	_ =	swait.ge [sflag:s15], $0x4000  }
0x59: {  	s24 =	sshra.s32 s24, $0x2;
	[sflag:s15] =	ssyncset.done $0x0  }
0x5a: {  	s4 =	sadd.s32 $0x300, s24;
	[sflag:s15] =	ssyncadd.s32 $0xFFFFC000  }
0x5b: {  	[tilespmem:s22], [sflag:$0x3] =	stream.indirect.gather [hbm4b:s3+s18], $0x80, s4, s18, $0xb8;
	[tilespmem:$0x16400] =	vst v63  }
0x5c: {  	_ =	swait.ge [sflag:s23], $0x4000  }
0x5d: {  	[sflag:s23] =	ssyncset.done $0x0  }
0x5e: {  	[sflag:s23] =	ssyncadd.s32 $0xFFFFC000  }
0x5f: {  	[hbm4b:s21+s1] =	stream.linear.scatter [tilespmem:s19], [sflag:$0x5], $0x4000, $0x38;
	[tilespmem:$0x16400] =	vst v63  }
0x60: {  	_ =	swait.ge [sflag:s16], $0x4000  }
0x61: {  	[sflag:s16] =	ssyncset.done $0x0  }
0x62: {  	s4 =	sadd.s32 $0x380, s24;
	[sflag:s16] =	ssyncadd.s32 $0xFFFFC000  }
0x63: {  	[tilespmem:s25], [sflag:$0x4] =	stream.indirect.gather [hbm4b:s3+s18], $0x80, s4, s18, $0xb8;
	[tilespmem:$0x16400] =	vst v63  }
0x64: {  	_ =	swait.ge [sflag:s26], $0x4000  }
0x65: {  	[sflag:s26] =	ssyncset.done $0x0  }
0x66: {  	s4 =	sadd.s32 $0x10000, s21;
	[sflag:s26] =	ssyncadd.s32 $0xFFFFC000  }
0x67: {  	[hbm4b:s4+s1] =	stream.linear.scatter [tilespmem:s20], [sflag:$0x6], $0x4000, $0x38;
	[tilespmem:$0x16400] =	vst v63  }
0x68: {  	_ =	swait.ge [sflag:s28], $0x4000  }
0x69: {  	[sflag:s28] =	ssyncset.done $0x0  }
0x6a: {  	s4 =	sadd.s32 $0x400, s24;
	[sflag:s28] =	ssyncadd.s32 $0xFFFFC000  }
0x6b: {  	[tilespmem:s19], [sflag:$0x1] =	stream.indirect.gather [hbm4b:s3+s18], $0x80, s4, s18, $0xb8;
	[tilespmem:$0x16400] =	vst v63  }
0x6c: {  	_ =	swait.ge [sflag:s30], $0x4000  }
0x6d: {  	[sflag:s30] =	ssyncset.done $0x0  }
0x6e: {  	s4 =	sadd.s32 $0x20000, s21;
	[sflag:s30] =	ssyncadd.s32 $0xFFFFC000  }
0x6f: {  	[hbm4b:s4+s1] =	stream.linear.scatter [tilespmem:s22], [sflag:$0x7], $0x4000, $0x38;
	[tilespmem:$0x16400] =	vst v63  }
0x70: {  	_ =	swait.ge [sflag:s31], $0x4000  }
0x71: {  	[sflag:s31] =	ssyncset.done $0x0  }
.Ltmp0:
0x72: {  	s4 =	sadd.s32 $0x480, s24;
	[sflag:s31] =	ssyncadd.s32 $0xFFFFC000;
	(pc) =	sbr.rel @p0 .LBB2_2-.Ltmp0, $4  }
0x73: {  	[tilespmem:s20], [sflag:$0x2] =	stream.indirect.gather [hbm4b:s3+s18], $0x80, s4, s18, $0xb8;
	[tilespmem:$0x16400] =	vst v63  }
0x74: {  	_ =	swait.ge [sflag:s2], $0x4000  }
0x75: {  	[sflag:s2] =	ssyncset.done $0x0  }
0x76: {  	s24 =	sadd.s32 $0x30000, s21;
	s21 =	sadd.s32 $0x40000, s21;
	[sflag:s2] =	ssyncadd.s32 $0xFFFFC000  }
0x77: {  	[hbm4b:s24+s1] =	stream.linear.scatter [tilespmem:s25], [sflag:$0x8], $0x4000, $0x38;
	[tilespmem:$0x16400] =	vst v63  }
0x78: {  	_ =	swait.ge [sflag:s15], $0x4000  }
0x79: {  	[sflag:s15] =	ssyncset.done $0x0  }
0x7a: {  	s0 =	simm.s32 $0x6300;
	[sflag:s15] =	ssyncadd.s32 $0xFFFFC000  }
0x7b: {  	[tilespmem:s22], [sflag:$0x3] =	stream.indirect.gather [hbm4b:s3+s18], $0x80, s0, s18, $0xb8;
	[tilespmem:$0x16400] =	vst v63  }
0x7c: {  	_ =	swait.ge [sflag:s23], $0x4000  }
0x7d: {  	[sflag:s23] =	ssyncset.done $0x0  }
0x7e: {  	[sflag:s23] =	ssyncadd.s32 $0xFFFFC000  }
0x7f: {  	[hbm4b:s10+s1] =	stream.linear.scatter [tilespmem:s19], [sflag:$0x5], $0x4000, $0x38;
	[tilespmem:$0x16400] =	vst v63  }
0x80: {  	_ =	swait.ge [sflag:s16], $0x4000  }
0x81: {  	[sflag:s16] =	ssyncset.done $0x0  }
0x82: {  	s24 =	simm.s32 $0x6380;
	[sflag:s16] =	ssyncadd.s32 $0xFFFFC000  }
0x83: {  	[tilespmem:s25], [sflag:$0x4] =	stream.indirect.gather [hbm4b:s3+s18], $0x80, s24, s18, $0xb8;
	[tilespmem:$0x16400] =	vst v63  }
0x84: {  	_ =	swait.ge [sflag:s26], $0x4000  }
0x85: {  	[sflag:s26] =	ssyncset.done $0x0  }
0x86: {  	[sflag:s26] =	ssyncadd.s32 $0xFFFFC000  }
0x87: {  	[hbm4b:s11+s1] =	stream.linear.scatter [tilespmem:s20], [sflag:$0x6], $0x4000, $0x38;
	[tilespmem:$0x16400] =	vst v63  }
0x88: {  	_ =	swait.ge [sflag:s28], $0x4000  }
0x89: {  	[sflag:s28] =	ssyncset.done $0x0  }
0x8a: {  	[sflag:s28] =	ssyncadd.s32 $0xFFFFC000  }
0x8b: {  	_ =	swait.ge [sflag:s30], $0x4000  }
0x8c: {  	[sflag:s30] =	ssyncset.done $0x0  }
0x8d: {  	[sflag:s30] =	ssyncadd.s32 $0xFFFFC000  }
0x8e: {  	[hbm4b:s12+s1] =	stream.linear.scatter [tilespmem:s22], [sflag:$0x7], $0x4000, $0x38;
	[tilespmem:$0x16400] =	vst v63  }
0x8f: {  	_ =	swait.ge [sflag:s31], $0x4000  }
0x90: {  	[sflag:s31] =	ssyncset.done $0x0  }
0x91: {  	[sflag:s31] =	ssyncadd.s32 $0xFFFFC000  }
0x92: {  	_ =	swait.ge [sflag:s2], $0x4000  }
0x93: {  	[sflag:s2] =	ssyncset.done $0x0  }
0x94: {  	s29 =	sadd.s32 $0x1, s29;
	[sflag:s2] =	ssyncadd.s32 $0xFFFFC000  }
0x95: {  	[hbm4b:s13+s1] =	stream.linear.scatter [tilespmem:s25], [sflag:$0x8], $0x4000, $0x38;
	[tilespmem:$0x16400] =	vst v63  }
0x96: {  	p0 =	sne.s32 s29, s6;
	_ =	swait.ge [sflag:s15], $0x4000  }
.Ltmp1:
0x97: {  	[sflag:s15] =	ssyncset.done $0x0;
	(pc) =	sbr.rel @p0 .LBB2_1-.Ltmp1, $4  }
0x98: {  	[sflag:s15] =	ssyncadd.s32 $0xFFFFC000  }
0x99: {  	_ =	swait.ge [sflag:s16], $0x4000  }
0x9a: {  	[sflag:s16] =	ssyncset.done $0x0  }
0x9b: {  	[sflag:s16] =	ssyncadd.s32 $0xFFFFC000  }
0x9c: {  	_ =	sfence.sel $0x180000  }
0x9d: {  	[bflag:$0x0] =	sbarrier.arrive $0xFFFF  }
0x9e: {  	_ =	strace $0x90000047  }
0x9f: {  	s0 =	stileid.u32;
	[bflag:$0x2] =	sbarrier.arrive $0xFFFF  }
0xa0: {  	p0 =	sne.s32 s0, $0x0;
	s0 =	rddreg [dreg:$0x2]  }
0xa1: {  	s0 =	sadd.s32 @!p0 $0x100000, s0  }
0xa2: {  	[sflag:s0] =	ssyncadd.tile.s32 @!p0 $0x1;
	_ =	shalt  }
.Lfunc_end2:
_tile_overlayer_lowered:
.L_overlay_start_2:
0xa3: {  	(tag) =	ssettag $0x2  }
0xa4: {  	s0 =	rddreg [dreg:$0x0];
	s2 =	stileid.u32  }
0xa5: {  	s1 =	rddreg [dreg:$0x1];
	p0 =	sne.s32 s2, $0x0  }
0xa6: {  	s3 =	rddreg [dreg:$0x2];
	[bflag:$0x3] =	sbarrier.arrive $0xFFFF;
	s2 =	simm.s32 @!p0 $0x1C09  }
0xa7: {  	[timem:s3], [sflag:s2] =	dma.local @!p0 [hbm:s0], s1  }
0xa8: {  	s0 =	simm.s32 @!p0 $0x9  }
0xa9: {  	_ =	swait.ge @!p0 [sflag:s0], s1  }
0xaa: {  	s1 =	ssub.s32 @!p0 $0x0, s1;
	[sflag:s0] =	ssyncset.done @!p0 $0x0  }
0xab: {  	[sflag:s0] =	ssyncadd.s32 @!p0 s1  }
0xac: {  	[bflag:$0x3] =	sbarrier.arrive $0xFFFF  }
0xad: {  	_ =	shalt  }

// kernel: sparse-core-data-format-call.cloned.1.call-start
scs
called_computation_lowered:
.L_overlay_start_0:
0x0: {  	s2 =	sld [smem:$0x3FD9]  }
0x1: {  	s3 =	sld [smem:$0x3FFE];
	_ =	sdelay $0x1  }
0x2: {  	s1 =	srdreg.scid  }
0x3: {  	s0 =	sand.u32 $0x1, s1  }
0x4: {  	s18 =	sshll.u32 s0, $0xA;
	s2 =	sadd.s32 s3, s2  }
0x5: {  	s2 =	sadd.s32 s2, s18  }
0x6: {  	[smem:$0x3FC6] =	sst s2  }
0x7: {  	_ = 	snop  }
0x8: {  	s2 =	sld [smem:$0x3FD0];
	(tm) =	ssettm $0x1  }
0x9: {  	s19 =	sld [smem:$0x3FFB];
	_ =	sdelay $0x3  }
0xa: {  	_ =	strace s19  }
0xb: {  	s3 =	sld [smem:$0x3FFC];
	_ =	sdelay $0x3  }
0xc: {  	_ =	strace s3  }
0xd: {  	s3 =	sld [smem:$0x3FFD];
	_ =	sdelay $0x3  }
0xe: {  	_ =	strace s3  }
0xf: {  	_ =	strace $0x8FFFFFFF  }
0x10: {  	s20 =	sld [smem:$0x3FDB];
	_ =	sdelay $0x1  }
0x11: {  	s4 =	simm.s32 $_scs_section_size  }
0x12: {  	s5 =	simm.s32 $_size__tile_overlayer_lowered;
	s6 =	simm.s32 $_tile_overlayer_lowered  }
0x13: {  	s23 =	simm.s32 $0x1BFF;
	s22 =	sshll.u32 s6, $0x1;
	s3 =	sadd.s32 s4, s20  }
0x14: {  	s7 =	simm.s32 $0x0;
	s21 =	sshll.u32 s5, $0x1;
	s5 =	sadd.s32 s22, s3  }
0x15: {  	[timem:s7], [sflag:s23] =	dma.local [hbm:s5], s21  }
0x16: {  	_ =	swait.ge [sflag:s23], s21  }
0x17: {  	s4 =	ssub.s32 $0x0, s21;
	[sflag:s23] =	ssyncset.done $0x0  }
0x18: {  	[sflag:s23] =	ssyncadd.s32 s4;
	_ =	sdelay $0x1  }
0x19: {  	s24 =	simm.s32 $0x1B8B  }
0x1a: {  	_ =	swait.ge [sflag:s24], $0x1  }
0x1b: {  	[sflag:s24] =	ssyncset.done $0x0  }
0x1c: {  	s26 =	simm.s32 $0x1B8E;
	s25 =	sld [smem:$0x3FFE];
	[sflag:s24] =	ssyncadd.s32 $0xFFFFFFFF  }
0x1d: {  	s27 =	simm.s32 $execute0_lowered;
	[smem:$0x3FD2] =	sst s26  }
0x1e: {  	s5 =	sshll.u32 s27, $0x1;
	_ =	strace $0x80000049;
	[dreg:$0x1] =	wrdreg $0xFFFFFFFF  }
0x1f: {  	s28 =	simm.s32 $_size_execute0_lowered;
	s3 =	sadd.s32 s3, s5;
	[dreg:$0x0] =	wrdreg $0x0  }
0x20: {  	s5 =	sshll.u32 s28, $0x1;
	[dreg:$0x2] =	wrdreg s3  }
0x21: {  	[dreg:$0x3] =	wrdreg s5  }
0x22: {  	[dreg:$0x4] =	wrdreg $0xC0  }
0x23: {  	_ =	task [dreg:s7], $0x5FFFF  }
0x24: {  	[dreg:$0x1] =	wrdreg $0xFFFFFFFF  }
0x25: {  	[dreg:$0x0] =	wrdreg $0x60  }
0x26: {  	[dreg:$0x2] =	wrdreg s25  }
0x27: {  	[dreg:$0x3] =	wrdreg s2  }
0x28: {  	[dreg:$0x4] =	wrdreg $0x9  }
0x29: {  	_ =	task.clear_ibuf [dreg:s7], $0x5FFFF;
	_ =	strace $0x90000049  }
0x2a: {  	s29 =	simm.s32 $0x9;
	_ =	strace $0x8000004B  }
0x2b: {  	_ =	swait.ge [sflag:s29], $0x1  }
0x2c: {  	[sflag:s29] =	ssyncadd.s32 $0xFFFFFFFF  }
0x2d: {  	_ =	strace $0x9000004B  }
0x2e: {  	_ =	sfence  }
0x2f: {  	s30 =	sld [smem:$0x0];
	_ =	sdelay $0x2  }
0x30: {  	s31 =	sshll.u32 s1, $0xD;
	s1 =	sshrl.u32 s1, $0x2  }
0x31: {  	s3 =	sand.u32 $0x4000, s31;
	s1 =	sadd.s32 s1, s30  }
0x32: {  	s0 =	sor.u32 s3, s0;
	s1 =	sshll.u32 s1, $0x11  }
0x33: {  	s0 =	sor.u32 s1, s0  }
0x34: {  	s0 =	sadd.s32 $0x8F2B, s0  }
0x35: {  	[sflag:s0] =	ssyncadd.remote.s32 $0x1  }
0x36: {  	_ =	sfence.sel $0xFFFF  }
0x37: {  	[dreg:$0x0] =	wrdreg $0xFFFFFFFF;
	(pc) =	sbr.abs _section_cstart, $3  }
0x38: {  	[dreg:$0x1] =	wrdreg $0xFFFFFFFF  }
0x39: {  	_ =	task.clear_ibuf [dreg:s7], $0x2FFFF;
	_ =	strace $0x9FFFFFFF  }
0x3a: {  	(tm) =	ssettm $0x7FFFFFFF  }
0x3b: {  	_ =	shalt  }
tec
execute0_lowered:
.L_overlay_start_1:
0x0: {  	(tag) =	ssettag $0x1  }
0x1: {  	s0 =	srdreg.scid  }
0x2: {  	s1 =	sshll.u32 s0, $0x4  }
0x3: {  	s5 =	rddreg [dreg:$0x0];
	s0 =	stileid.u32;
	s1 =	sand.u32 $0x10, s1  }
0x4: {  	s3 =	rddreg [dreg:$0x1];
	s31 =	simm.s32 $0x2;
	s4 =	sor.u32 s0, s1  }
0x5: {  	s13 =	simm.s32 $0x0;
	s9 =	simm.s32 $0x400;
	s2 =	sshll.u32 s4, $0x7  }
0x6: {  	s10 =	simm.s32 $0x8000;
	s14 =	simm.s32 $0x0;
	s6 =	ssub.s32 $0x1000, s2  }
0x7: {  	s1 =	rddreg [dreg:$0x2];
	_ =	strace $0x8000004A;
	s7 =	sand.u32 $0xF80, s6  }
0x8: {  	s4 =	sshll.u32 s4, $0xB;
	p0 =	sne.s32 s7, $0x0;
	s7 =	simm.s32 $0x1  }
.Ltmp0:
0x9: {  	s6 =	sshrl.u32 s6, $0xC;
	s7 =	simm.s32 @!p0 $0x0;
	(pc) =	sbr.rel .LBB1_1-.Ltmp0, $4  }
0xa: {  	s8 =	sadd.s32 s4, s5;
	s4 =	simm.s32 $0x1;
	s30 =	sadd.s32 s7, s6  }
0xb: {  	s11 =	simm.s32 $0x0;
	[sflag:s4] =	ssyncpa.u1 $0x0;
	s5 =	smul.u32 $0x64, s30  }
0xc: {  	s12 =	simm.s32 $0x0;
	[sflag:s31] =	ssyncpa.u1 $0x0;
	p0 =	por $0x0, $0x0  }
0xd: {  	s6 =	sadd.s32 $0x800, s8;
	s7 =	sadd.s32 $0x10800, s8;
	s8 =	sor.u32 $0x1, s5  }
.LBB1_7:
0xe: {  	s15 =	sadd.s32 $0x2, s11  }
0xf: {  	p2 =	sgt.s32 s15, $0xC7  }
0x10: {  	s15 =	simm.s32 @p2 $0x0;
	p2 =	sne.s32 s12, s8  }
.Ltmp1:
0x11: {  	p1 =	slt.u32 s12, $0x2;
	(pc) =	sbr.rel @!p2 .LBB1_8-.Ltmp1, $4  }
0x12: {  	s13 =	simm.s32 @!p1 $0x2  }
0x13: {  	s16 =	sadd.s32 $0x1, s12;
	s14 =	smov.u32 s11;
	_ =	swait.ge @!p1 [sflag:s13], $0x4000  }
0x14: {  	p0 =	por !p0, !p0;
	s12 =	smov.u32 s16;
	[sflag:s13] =	ssyncset.done @!p1 $0x0  }
0x15: {  	s11 =	smov.u32 s15;
	[sflag:s13] =	ssyncadd.s32 @!p1 $0xFFFFC000;
	s13 =	smov.u32 s2  }
.LBB1_1:
0x16: {  	p1 =	sge.u32 s12, s5  }
0x17: {  	s15 =	sxor.u32 @!p1 $0xFFFFFFFF, s12  }
0x18: {  	s16 =	sshll.u32 @!p1 s11, $0x10;
	s18 =	simm.s32 @!p1 $0x40;
	s15 =	sshll.u32 @!p1 s15, $0xE  }
0x19: {  	s19 =	simm.s32 @!p1 $0x80;
	s17 =	sadd.s32 @!p1 s16, s6;
	s15 =	sand.u32 @!p1 $0x4000, s15  }
0x1a: {  	[tilespmem:s15], [sflag:$0x1] =	stream.strided.gather @!p1 [hbm4b:s17+s18], $0x2000, s19, s18, $0x38;
	[tilespmem:$0x10100] =	vst v63  }
0x1b: {  	s31 =	sadd.s32 $0xFFFFFFFF, s12;
	s16 =	sadd.s32 @!p1 s16, s7;
	s15 =	sor.u32 @!p1 $0x2000, s15  }
0x1c: {  	[tilespmem:s15], [sflag:$0x1] =	stream.strided.gather @!p1 [hbm4b:s16+s18], $0x2000, s19, s18, $0x38;
	[tilespmem:$0x10100] =	vst v63  }
0x1d: {  	p1 =	sge.u32 s31, s5  }
.Ltmp2:
0x1e: {  	_ = 	snop;
	(pc) =	sbr.rel @p1 .LBB1_7-.Ltmp2, $1  }
0x1f: {  	_ =	sdelay $0x3  }
0x20: {  	s15 =	simm.s32 $0x1;
	s17 =	sand.u32 $0x1, s12  }
0x21: {  	_ =	swait.ge [sflag:s4], $0x4000;
	s15 =	simm.s32 @!p0 $0x0;
	s17 =	smul.u32 $0x10200, s17  }
0x22: {  	p2 =	por $0x1, $0x1;
	[sflag:s4] =	ssyncset.done $0x0;
	s16 =	smul.u32 $0x10200, s15  }
0x23: {  	s18 =	sshll.u32 s15, $0x10;
	[sflag:s4] =	ssyncadd.s32 $0xFFFFC000;
	s30 =	sshrl.u32 s17, $0x2  }
0x24: {  	s31 =	sshrl.u32 s18, $0x2;
	s18 =	simm.s32 $0x0;
	s16 =	sshrl.u32 s16, $0x2  }
0x25: {  	s15 =	sor.u32 $0x8000, s30;
	s17 =	sadd.s32 $0x20, s31;
	s16 =	sor.u32 $0x8000, s16  }
.LBB1_3:
0x26: {  	s19 =	sshll.u32 s18, $0xD  }
0x27: {  	s19 =	sand.u32 $0x3FFFE000, s19  }
0x28: {  	s21 =	sadd.s32 s19, s17  }
0x29: {  	s31 =	smul.u32 $0x8100, s18;
	v3 =	vld [tilespmem:s21+$0x10]  }
0x2a: {  	v1 =	vld [tilespmem:s21+$0xFFFFFFF0]  }
0x2b: {  	s18 =	sshra.s32 s31, $0x2;
	v0 =	vld [tilespmem:s21+$0x0]  }
0x2c: {  	s18 =	sadd.s32 s18, s16;
	v2 =	vld [tilespmem:s21+$0xFFFFFFE0]  }
0x2d: {  	s19 =	sadd.s32 $0x0, s18  }
0x2e: {  	p1 =	por p2, p2;
	s20 =	simm.s32 $0x4;
	s21 =	sadd.s32 $0x40, s21;
	[tilespmem:s19+$0x1830 ss:$0x81] =	vst.msk $0xffff, v3  }
.LBB1_4:
0x2f: {  	v3 =	vld [tilespmem:s21+$0x10];
	p2 =	sne.s32 s20, $0x1FC;
	[tilespmem:s19+$0x810 ss:$0x81] =	vst.msk $0xffff, v1;
	s22 =	smov.u32 s20;
	s20 =	sadd.s32 $0x4, s20  }
.Ltmp3:
0x30: {  	v1 =	vld [tilespmem:s21+$0xFFFFFFF0];
	[tilespmem:s19+$0x1020 ss:$0x81] =	vst.msk $0xffff, v0;
	(pc) =	sbr.rel @p2 .LBB1_4-.Ltmp3, $4  }
0x31: {  	v0 =	vld [tilespmem:s21+$0x0];
	[tilespmem:s19+$0x0 ss:$0x81] =	vst.msk $0xffff, v2  }
0x32: {  	s19 =	sshra.s32 s22, $0x2;
	v2 =	vld [tilespmem:s21+$0xFFFFFFE0]  }
0x33: {  	s19 =	sadd.s32 s19, s18  }
0x34: {  	s21 =	sadd.s32 $0x40, s21;
	[tilespmem:s19+$0x1830 ss:$0x81] =	vst.msk $0xffff, v3  }
.Ltmp4:
0x35: {  	(pc) =	sbr.rel @p1 .LBB1_3-.Ltmp4, $4  }
0x36: {  	_ = 	snop  }
0x37: {  	[tilespmem:s19+$0x810 ss:$0x81] =	vst.msk $0xffff, v1  }
0x38: {  	[tilespmem:s19+$0x1020 ss:$0x81] =	vst.msk $0xffff, v0  }
0x39: {  	s18 =	simm.s32 $0x1;
	p2 =	por $0x0, $0x0;
	[tilespmem:s19+$0x0 ss:$0x81] =	vst.msk $0xffff, v2  }
.Ltmp5:
0x3a: {  	(pc) =	sbr.rel .LBB1_7-.Ltmp5, $4  }
0x3b: {  	s14 =	sshll.u32 s14, $0xF  }
0x3c: {  	s14 =	sadd.s32 s3, s14  }
0x3d: {  	s13 =	sadd.s32 s13, s14  }
0x3e: {  	[hbm4b:s13+s9] =	stream.strided.scatter [tilespmem:s15], [sflag:$0x2], $0x4000, s10, s9, $0x20;
	[tilespmem:$0x10100] =	vst v63  }
.LBB1_8:
0x3f: {  	_ =	sfence.sel $0x180000  }
0x40: {  	s2 =	simm.s32 $0x1;
	[bflag:$0x0] =	sbarrier.arrive $0xFFFF  }
0x41: {  	s31 =	simm.s32 $0x2;
	[sflag:s2] =	ssyncpa.u1 $0x1  }
0x42: {  	[sflag:s31] =	ssyncpa.u1 $0x1  }
0x43: {  	p0 =	sne.s32 s0, $0x0;
	_ =	strace $0x9000004A  }
0x44: {  	s0 =	sadd.s32 @!p0 $0x100000, s1;
	[bflag:$0x2] =	sbarrier.arrive $0xFFFF  }
0x45: {  	[sflag:s0] =	ssyncadd.tile.s32 @!p0 $0x1;
	_ =	shalt  }
.Lfunc_end1:
_tile_overlayer_lowered:
.L_overlay_start_2:
0x46: {  	(tag) =	ssettag $0x2  }
0x47: {  	s0 =	rddreg [dreg:$0x0];
	s2 =	stileid.u32  }
0x48: {  	s1 =	rddreg [dreg:$0x1];
	p0 =	sne.s32 s2, $0x0  }
0x49: {  	s3 =	rddreg [dreg:$0x2];
	[bflag:$0x3] =	sbarrier.arrive $0xFFFF;
	s2 =	simm.s32 @!p0 $0x1C01  }
0x4a: {  	[timem:s3], [sflag:s2] =	dma.local @!p0 [hbm:s0], s1  }
0x4b: {  	s0 =	simm.s32 @!p0 $0x1  }
0x4c: {  	_ =	swait.ge @!p0 [sflag:s0], s1  }
0x4d: {  	s1 =	ssub.s32 @!p0 $0x0, s1;
	[sflag:s0] =	ssyncset.done @!p0 $0x0  }
0x4e: {  	[sflag:s0] =	ssyncadd.s32 @!p0 s1  }
0x4f: {  	[bflag:$0x3] =	sbarrier.arrive $0xFFFF  }
0x50: {  	_ =	shalt  }

</sc_bundles>
